<compile_context>
chip_gen: v7x
topology: tpu7x:2x2x1
jax: 0.10.2.dev20260603
libtpu: 0.0.44.dev20260713+nightly
codegen_flags: <defaults>
</compile_context>

<pallas_src>
import jax
import jax.numpy as jnp
from jax import lax
from jax.experimental import pallas as pl
from jax.experimental.pallas import tpu as pltpu
from jax.experimental.pallas import tpu_sc as plsc

NC = 2
NS = 16
LANES = 16

B = 1024
L = 512
D = 128
BL = B * L
NW = NC * NS
K = 128
CHUNKS = BL // K // NW
CPS = L // K
NBUF = 4
ROUNDS = CHUNKS // NBUF
GROUPS = K // LANES


def _comb_body(pos_ref, seg_ref, out_ref):
    out_ref[...] = seg_ref[...][:, None, :] + pos_ref[...][None, :, :]


def _build_comb(position_table, segment_table):
    comb = pl.pallas_call(
        _comb_body,
        in_specs=[
            pl.BlockSpec((L, D), lambda: (0, 0)),
            pl.BlockSpec((3, D), lambda: (0, 0)),
        ],
        out_specs=pl.BlockSpec((3, L, D), lambda: (0, 0, 0)),
        out_shape=jax.ShapeDtypeStruct((3, L, D), jnp.float32),
    )(position_table, segment_table)
    return comb.reshape(3 * L, D)


def _sc_body(seq_hbm, lab_hbm, tok_hbm, comb_hbm, out_hbm,
             comb_sp, idx_ring, lab_ring, cidx_ring, bufs,
             i_sem, c_sem, a_sem, w_sem):
    wid = lax.axis_index("s") * NC + lax.axis_index("c")
    w_base = wid * CHUNKS * K
    iota = lax.iota(jnp.int32, LANES)

    sid = lax.axis_index("s")
    rows = (3 * L) // NS
    pltpu.sync_copy(comb_hbm.at[pl.ds(sid * rows, rows)],
                    comb_sp.at[pl.ds(sid * rows, rows)])
    plsc.subcore_barrier()

    def issue_idx(k, slot):
        base = w_base + k * K
        pltpu.async_copy(seq_hbm.at[pl.ds(base, K)], idx_ring[slot],
                         i_sem[slot])
        pltpu.async_copy(lab_hbm.at[pl.ds(base, K)], lab_ring[slot],
                         i_sem[slot])

    def wait_idx(slot):
        for ring in (idx_ring, lab_ring):
            pltpu.make_async_copy(
                seq_hbm.at[pl.ds(0, K)], ring[slot], i_sem[slot]).wait()

    def prep_comb(k, slot):
        del k
        labs = lab_ring[slot]
        cidx = cidx_ring[slot]
        for g in range(GROUPS):
            sl = pl.ds(g * LANES, LANES)
            base = slot * K + g * LANES
            cidx[sl] = labs[sl] * L + (iota + base)
        pltpu.async_copy(comb_sp.at[cidx], bufs[slot], c_sem[slot])

    def round_body(r, _):
        for b in range(NBUF):
            k = r * NBUF + b
            buf = bufs[b]
            nb = (b + 1) % NBUF
            pb = (b - 1) % NBUF

            pltpu.make_async_copy(
                comb_sp.at[cidx_ring[b]], buf, c_sem[b]).wait()
            pltpu.async_copy(tok_hbm.at[idx_ring[b]], buf, a_sem[b],
                             add=True)

            @pl.when(k + 2 < CHUNKS)
            def _prefetch_indices():
                issue_idx(k + 2, (b + 2) % NBUF)

            @pl.when(k + 1 < CHUNKS)
            def _stage_next():
                wait_idx(nb)

                @pl.when(k >= NBUF - 1)
                def _wait_writeout():
                    pltpu.make_async_copy(
                        bufs[nb], out_hbm.at[pl.ds(0, K)], w_sem[nb]).wait()

                prep_comb(k + 1, nb)

            @pl.when(k >= 1)
            def _retire_prev():
                pltpu.make_async_copy(
                    tok_hbm.at[idx_ring[pb]], bufs[pb], a_sem[pb]).wait()
                pltpu.async_copy(
                    bufs[pb], out_hbm.at[pl.ds(w_base + (k - 1) * K, K)],
                    w_sem[pb])
        return _

    issue_idx(0, 0)
    issue_idx(1, 1)
    wait_idx(0)
    prep_comb(0, 0)
    lax.fori_loop(0, ROUNDS, round_body, 0)
    lb = (CHUNKS - 1) % NBUF
    pltpu.make_async_copy(
        tok_hbm.at[idx_ring[lb]], bufs[lb], a_sem[lb]).wait()
    pltpu.async_copy(bufs[lb],
                     out_hbm.at[pl.ds(w_base + (CHUNKS - 1) * K, K)],
                     w_sem[lb])
    for k in range(CHUNKS - NBUF, CHUNKS):
        b = k % NBUF
        pltpu.make_async_copy(
            bufs[b], out_hbm.at[pl.ds(0, K)], w_sem[b]).wait()


def _sc_embed(seq_flat, lab_flat, token_table, comb):
    mesh = plsc.VectorSubcoreMesh(core_axis_name="c", subcore_axis_name="s")
    kfn = pl.kernel(
        _sc_body,
        out_type=jax.ShapeDtypeStruct((BL, D), jnp.float32),
        mesh=mesh,
        scratch_types=[
            pltpu.VMEM_SHARED((3 * L, D), jnp.float32),
            [pltpu.VMEM((K,), jnp.int32) for _ in range(NBUF)],
            [pltpu.VMEM((K,), jnp.int32) for _ in range(NBUF)],
            [pltpu.VMEM((K,), jnp.int32) for _ in range(NBUF)],
            [pltpu.VMEM((K, D), jnp.float32) for _ in range(NBUF)],
            [pltpu.SemaphoreType.DMA for _ in range(NBUF)],
            [pltpu.SemaphoreType.DMA for _ in range(NBUF)],
            [pltpu.SemaphoreType.DMA for _ in range(NBUF)],
            [pltpu.SemaphoreType.DMA for _ in range(NBUF)],
        ],
    )
    return kfn(seq_flat, lab_flat, token_table, comb)


@jax.jit
def _embed(seq_flat, lab_flat, token_table, position_table, segment_table):
    comb = _build_comb(position_table, segment_table)
    return _sc_embed(seq_flat, lab_flat, token_table, comb)


def kernel(sequence, segment_label, token_table, position_table, segment_table):
    seq_flat = sequence.reshape(BL).astype(jnp.int32)
    lab_flat = segment_label.reshape(BL).astype(jnp.int32)
    out = _embed(seq_flat, lab_flat, token_table, position_table,
                 segment_table)
    return out.reshape(B, L, D)

# --- scband reference (transcript-rebuilt; emitter-appended) ---
"""Pipeline reference for scband-bertembedding-11836929868067 (READ-ONLY COPY).

The authoritative reference and input builder live on the scoring server;
editing this copy changes nothing except your own understanding.
"""

import jax, jax.numpy as jnp
import numpy as np

VOCAB = 100000
EMBED = 128
MAX_LEN = 512
B = 1024
L = 512

def setup_inputs(seed: int = 0) -> dict:
    key = jax.random.key(seed)
    k1, k2, k3, k4, k5 = jax.random.split(key, 5)
    sequence = jax.random.randint(k1, (B, L), 0, VOCAB, dtype=jnp.int64 if jax.config.jax_enable_x64 else jnp.int32)
    segment_label = jax.random.randint(k2, (B, L), 0, 3, dtype=jnp.int64 if jax.config.jax_enable_x64 else jnp.int32)
    token_table = jax.random.normal(k3, (VOCAB, EMBED), dtype=jnp.float32)
    token_table = token_table.at[0].set(0.0)  # padding_idx=0
    position_table = jax.random.normal(k4, (MAX_LEN, EMBED), dtype=jnp.float32)
    segment_table = jax.random.normal(k5, (3, EMBED), dtype=jnp.float32)
    segment_table = segment_table.at[0].set(0.0)  # padding_idx=0
    return {
        "sequence": sequence,
        "segment_label": segment_label,
        "token_table": token_table,
        "position_table": position_table,
        "segment_table": segment_table,
    }

def reference(sequence, segment_label, token_table, position_table, segment_table):
    # token embedding lookup
    x = jnp.take(token_table, sequence, axis=0)
    # position embedding: arange over seq dim, broadcast over batch
    pos = jnp.arange(sequence.shape[1])[None, :]
    x = x + jnp.take(position_table, pos, axis=0)
    # segment embedding lookup
    x = x + jnp.take(segment_table, segment_label, axis=0)
    # dropout p=0.0 -> identity
    return x

if __name__ == "__main__":
    import jax
    _d = setup_inputs()
    print(jax.jit(kernel)(*tuple(_d.values())))

</pallas_src>

<mosaic_0001>
#map = affine_map<(d0, d1) -> (0)>
#map1 = affine_map<(d0, d1) -> (0, 0)>
module attributes {stable_mosaic.version = 14 : i64} {
  func.func @_sc_body(%arg0: i32, %arg1: i32, %arg2: memref<524288xi32, #tpu.memory_space<hbm>>, %arg3: memref<524288xi32, #tpu.memory_space<hbm>>, %arg4: memref<100000x128xf32, #tpu.memory_space<hbm>>, %arg5: memref<1536x128xf32, #tpu.memory_space<hbm>>, %arg6: memref<524288x128xf32, #tpu.memory_space<hbm>>, %arg7: memref<1536x128xf32, #tpu.memory_space<vmem_shared>>, %arg8: memref<128xi32, #tpu.memory_space<vmem>>, %arg9: memref<128xi32, #tpu.memory_space<vmem>>, %arg10: memref<128xi32, #tpu.memory_space<vmem>>, %arg11: memref<128xi32, #tpu.memory_space<vmem>>, %arg12: memref<128xi32, #tpu.memory_space<vmem>>, %arg13: memref<128xi32, #tpu.memory_space<vmem>>, %arg14: memref<128xi32, #tpu.memory_space<vmem>>, %arg15: memref<128xi32, #tpu.memory_space<vmem>>, %arg16: memref<128xi32, #tpu.memory_space<vmem>>, %arg17: memref<128xi32, #tpu.memory_space<vmem>>, %arg18: memref<128xi32, #tpu.memory_space<vmem>>, %arg19: memref<128xi32, #tpu.memory_space<vmem>>, %arg20: memref<128x128xf32, #tpu.memory_space<vmem>>, %arg21: memref<128x128xf32, #tpu.memory_space<vmem>>, %arg22: memref<128x128xf32, #tpu.memory_space<vmem>>, %arg23: memref<128x128xf32, #tpu.memory_space<vmem>>, %arg24: memref<!tpu.dma_semaphore, #tpu.memory_space<semaphore_mem>>, %arg25: memref<!tpu.dma_semaphore, #tpu.memory_space<semaphore_mem>>, %arg26: memref<!tpu.dma_semaphore, #tpu.memory_space<semaphore_mem>>, %arg27: memref<!tpu.dma_semaphore, #tpu.memory_space<semaphore_mem>>, %arg28: memref<!tpu.dma_semaphore, #tpu.memory_space<semaphore_mem>>, %arg29: memref<!tpu.dma_semaphore, #tpu.memory_space<semaphore_mem>>, %arg30: memref<!tpu.dma_semaphore, #tpu.memory_space<semaphore_mem>>, %arg31: memref<!tpu.dma_semaphore, #tpu.memory_space<semaphore_mem>>, %arg32: memref<!tpu.dma_semaphore, #tpu.memory_space<semaphore_mem>>, %arg33: memref<!tpu.dma_semaphore, #tpu.memory_space<semaphore_mem>>, %arg34: memref<!tpu.dma_semaphore, #tpu.memory_space<semaphore_mem>>, %arg35: memref<!tpu.dma_semaphore, #tpu.memory_space<semaphore_mem>>, %arg36: memref<!tpu.dma_semaphore, #tpu.memory_space<semaphore_mem>>, %arg37: memref<!tpu.dma_semaphore, #tpu.memory_space<semaphore_mem>>, %arg38: memref<!tpu.dma_semaphore, #tpu.memory_space<semaphore_mem>>, %arg39: memref<!tpu.dma_semaphore, #tpu.memory_space<semaphore_mem>>) attributes {dimension_semantics = [#tpu.dimension_semantics<core_parallel>, #tpu.dimension_semantics<subcore_parallel>], iteration_bounds = array<i64: 2, 16>, scalar_prefetch = 0 : i64, scratch_operands = 33 : i64, tpu.core_type = #tpu.core_type<sc_vector_subcore>, window_params = [{transform_indices = #map}, {transform_indices = #map}, {transform_indices = #map1}, {transform_indices = #map1}, {transform_indices = #map1}]} {
    %mul3A = arith.constant 2 : i32
    %mul3A_0 = arith.muli %arg1, %mul3A : i32
    %add3A = arith.addi %mul3A_0, %arg0 : i32
    %mul3A_1 = arith.constant 128 : i32
    %mul3A_2 = arith.muli %add3A, %mul3A_1 : i32
    %mul3A_3 = arith.constant 128 : i32
    %mul3A_4 = arith.muli %mul3A_2, %mul3A_3 : i32
    %iota3A = tpu.iota {dimensions = array<i32: 0>} : vector<16xi32>
    %mul3A_5 = arith.constant 96 : i32
    %mul3A_6 = arith.muli %arg1, %mul3A_5 : i32
    %mul3A_7 = arith.constant 96 : i32
    %mul3A_8 = arith.muli %arg1, %mul3A_7 : i32
    "tpu.region"() ({
      %run_scoped3A = tpu.sem_alloc : memref<!tpu.dma_semaphore, #tpu.memory_space<semaphore_mem>>
      %dma_start3A_178 = arith.constant 0 : i32
      %dma_start3A_179 = tpu.memref_slice %arg7[%mul3A_8, %dma_start3A_178] : memref<1536x128xf32, #tpu.memory_space<vmem_shared>> -> memref<96x128xf32, #tpu.memory_space<vmem_shared>>
      %dma_start3A_180 = arith.constant 0 : i32
      %dma_start3A_181 = tpu.memref_slice %arg5[%mul3A_6, %dma_start3A_180] : memref<1536x128xf32, #tpu.memory_space<hbm>> -> memref<96x128xf32, #tpu.memory_space<hbm>>
      tpu.enqueue_dma source(%dma_start3A_181 : memref<96x128xf32, #tpu.memory_space<hbm>>) target(%dma_start3A_179 : memref<96x128xf32, #tpu.memory_space<vmem_shared>>) target_semaphore(%run_scoped3A : memref<!tpu.dma_semaphore, #tpu.memory_space<semaphore_mem>>)
      %dma_wait3A_182 = arith.constant 0 : i32
      %dma_wait3A_183 = tpu.memref_slice %arg7[%mul3A_8, %dma_wait3A_182] : memref<1536x128xf32, #tpu.memory_space<vmem_shared>> -> memref<96x128xf32, #tpu.memory_space<vmem_shared>>
      %dma_wait3A_184 = arith.constant 0 : i32
      %dma_wait3A_185 = tpu.memref_slice %arg5[%mul3A_6, %dma_wait3A_184] : memref<1536x128xf32, #tpu.memory_space<hbm>> -> memref<96x128xf32, #tpu.memory_space<hbm>>
      tpu.wait_dma2 semaphore(%run_scoped3A : memref<!tpu.dma_semaphore, #tpu.memory_space<semaphore_mem>>) src(%dma_wait3A_185 : memref<96x128xf32, #tpu.memory_space<hbm>>) dst(%dma_wait3A_183 : memref<96x128xf32, #tpu.memory_space<vmem_shared>>)
      tpu.yield
    }) : () -> ()
    %barrier3A = arith.constant 0 : index
    tpu.barrier barrier_id(%barrier3A)
    %add3A_9 = arith.constant 0 : i32
    %add3A_10 = arith.addi %mul3A_4, %add3A_9 : i32
    %dma_start3A = tpu.memref_slice %arg2[%add3A_10] : memref<524288xi32, #tpu.memory_space<hbm>> -> memref<128xi32, #tpu.memory_space<hbm>>
    %dma_start3A_11 = tpu.memref_slice %arg2[%add3A_10] : memref<524288xi32, #tpu.memory_space<hbm>> -> memref<128xi32, #tpu.memory_space<hbm>>
    tpu.enqueue_dma source(%dma_start3A_11 : memref<128xi32, #tpu.memory_space<hbm>>) target(%arg8 : memref<128xi32, #tpu.memory_space<vmem>>) target_semaphore(%arg24 : memref<!tpu.dma_semaphore, #tpu.memory_space<semaphore_mem>>)
    %dma_start3A_12 = tpu.memref_slice %arg3[%add3A_10] : memref<524288xi32, #tpu.memory_space<hbm>> -> memref<128xi32, #tpu.memory_space<hbm>>
    %dma_start3A_13 = tpu.memref_slice %arg3[%add3A_10] : memref<524288xi32, #tpu.memory_space<hbm>> -> memref<128xi32, #tpu.memory_space<hbm>>
    tpu.enqueue_dma source(%dma_start3A_13 : memref<128xi32, #tpu.memory_space<hbm>>) target(%arg12 : memref<128xi32, #tpu.memory_space<vmem>>) target_semaphore(%arg24 : memref<!tpu.dma_semaphore, #tpu.memory_space<semaphore_mem>>)
    %add3A_14 = arith.constant 128 : i32
    %add3A_15 = arith.addi %mul3A_4, %add3A_14 : i32
    %dma_start3A_16 = tpu.memref_slice %arg2[%add3A_15] : memref<524288xi32, #tpu.memory_space<hbm>> -> memref<128xi32, #tpu.memory_space<hbm>>
    %dma_start3A_17 = tpu.memref_slice %arg2[%add3A_15] : memref<524288xi32, #tpu.memory_space<hbm>> -> memref<128xi32, #tpu.memory_space<hbm>>
    tpu.enqueue_dma source(%dma_start3A_17 : memref<128xi32, #tpu.memory_space<hbm>>) target(%arg9 : memref<128xi32, #tpu.memory_space<vmem>>) target_semaphore(%arg25 : memref<!tpu.dma_semaphore, #tpu.memory_space<semaphore_mem>>)
    %dma_start3A_18 = tpu.memref_slice %arg3[%add3A_15] : memref<524288xi32, #tpu.memory_space<hbm>> -> memref<128xi32, #tpu.memory_space<hbm>>
    %dma_start3A_19 = tpu.memref_slice %arg3[%add3A_15] : memref<524288xi32, #tpu.memory_space<hbm>> -> memref<128xi32, #tpu.memory_space<hbm>>
    tpu.enqueue_dma source(%dma_start3A_19 : memref<128xi32, #tpu.memory_space<hbm>>) target(%arg13 : memref<128xi32, #tpu.memory_space<vmem>>) target_semaphore(%arg25 : memref<!tpu.dma_semaphore, #tpu.memory_space<semaphore_mem>>)
    %dma_wait3A = arith.constant 0 : i32
    %dma_wait3A_20 = tpu.memref_slice %arg2[%dma_wait3A] : memref<524288xi32, #tpu.memory_space<hbm>> -> memref<128xi32, #tpu.memory_space<hbm>>
    %dma_wait3A_21 = arith.constant 0 : i32
    %dma_wait3A_22 = tpu.memref_slice %arg2[%dma_wait3A_21] : memref<524288xi32, #tpu.memory_space<hbm>> -> memref<128xi32, #tpu.memory_space<hbm>>
    tpu.wait_dma2 semaphore(%arg24 : memref<!tpu.dma_semaphore, #tpu.memory_space<semaphore_mem>>) src(%dma_wait3A_22 : memref<128xi32, #tpu.memory_space<hbm>>) dst(%arg8 : memref<128xi32, #tpu.memory_space<vmem>>)
    %dma_wait3A_23 = arith.constant 0 : i32
    %dma_wait3A_24 = tpu.memref_slice %arg2[%dma_wait3A_23] : memref<524288xi32, #tpu.memory_space<hbm>> -> memref<128xi32, #tpu.memory_space<hbm>>
    %dma_wait3A_25 = arith.constant 0 : i32
    %dma_wait3A_26 = tpu.memref_slice %arg2[%dma_wait3A_25] : memref<524288xi32, #tpu.memory_space<hbm>> -> memref<128xi32, #tpu.memory_space<hbm>>
    tpu.wait_dma2 semaphore(%arg24 : memref<!tpu.dma_semaphore, #tpu.memory_space<semaphore_mem>>) src(%dma_wait3A_26 : memref<128xi32, #tpu.memory_space<hbm>>) dst(%arg12 : memref<128xi32, #tpu.memory_space<vmem>>)
    %get3A = arith.constant 0 : index
    %get3A_27 = tpu.vector_load %arg12[%get3A] {strides = array<i32>} : memref<128xi32, #tpu.memory_space<vmem>>, vector<16xi32>,
    %get3A_28 = vector.shape_cast %get3A_27 : vector<16xi32> to vector<16xi32>
    %mul3A_29 = arith.constant 512 : i32
    %mul3A_30 = vector.broadcast %mul3A_29 : i32 to vector<16xi32>
    %mul3A_31 = arith.muli %get3A_28, %mul3A_30 : vector<16xi32>
    %add3A_32 = arith.constant 0 : i32
    %add3A_33 = vector.broadcast %add3A_32 : i32 to vector<16xi32>
    %add3A_34 = arith.addi %iota3A, %add3A_33 : vector<16xi32>
    %add3A_35 = arith.addi %mul3A_31, %add3A_34 : vector<16xi32>
    %swap3A = arith.constant 0 : index
    %swap3A_36 = tpu.vector_load %arg16[%swap3A] {strides = array<i32>} : memref<128xi32, #tpu.memory_space<vmem>>, vector<16xi32>,
    %swap3A_37 = vector.shape_cast %swap3A_36 : vector<16xi32> to vector<16xi32>
    %swap3A_38 = vector.shape_cast %add3A_35 : vector<16xi32> to vector<16xi32>
    tpu.vector_store %arg16[%swap3A], %swap3A_38 {strides = array<i32>} : memref<128xi32, #tpu.memory_space<vmem>>, vector<16xi32>,
    %get3A_39 = arith.constant 16 : index
    %get3A_40 = tpu.vector_load %arg12[%get3A_39] {strides = array<i32>} : memref<128xi32, #tpu.memory_space<vmem>>, vector<16xi32>,
    %get3A_41 = vector.shape_cast %get3A_40 : vector<16xi32> to vector<16xi32>
    %mul3A_42 = arith.constant 512 : i32
    %mul3A_43 = vector.broadcast %mul3A_42 : i32 to vector<16xi32>
    %mul3A_44 = arith.muli %get3A_41, %mul3A_43 : vector<16xi32>
    %add3A_45 = arith.constant 16 : i32
    %add3A_46 = vector.broadcast %add3A_45 : i32 to vector<16xi32>
    %add3A_47 = arith.addi %iota3A, %add3A_46 : vector<16xi32>
    %add3A_48 = arith.addi %mul3A_44, %add3A_47 : vector<16xi32>
    %swap3A_49 = arith.constant 16 : index
    %swap3A_50 = tpu.vector_load %arg16[%swap3A_49] {strides = array<i32>} : memref<128xi32, #tpu.memory_space<vmem>>, vector<16xi32>,
    %swap3A_51 = vector.shape_cast %swap3A_50 : vector<16xi32> to vector<16xi32>
    %swap3A_52 = vector.shape_cast %add3A_48 : vector<16xi32> to vector<16xi32>
    tpu.vector_store %arg16[%swap3A_49], %swap3A_52 {strides = array<i32>} : memref<128xi32, #tpu.memory_space<vmem>>, vector<16xi32>,
    %get3A_53 = arith.constant 32 : index
    %get3A_54 = tpu.vector_load %arg12[%get3A_53] {strides = array<i32>} : memref<128xi32, #tpu.memory_space<vmem>>, vector<16xi32>,
    %get3A_55 = vector.shape_cast %get3A_54 : vector<16xi32> to vector<16xi32>
    %mul3A_56 = arith.constant 512 : i32
    %mul3A_57 = vector.broadcast %mul3A_56 : i32 to vector<16xi32>
    %mul3A_58 = arith.muli %get3A_55, %mul3A_57 : vector<16xi32>
    %add3A_59 = arith.constant 32 : i32
    %add3A_60 = vector.broadcast %add3A_59 : i32 to vector<16xi32>
    %add3A_61 = arith.addi %iota3A, %add3A_60 : vector<16xi32>
    %add3A_62 = arith.addi %mul3A_58, %add3A_61 : vector<16xi32>
    %swap3A_63 = arith.constant 32 : index
    %swap3A_64 = tpu.vector_load %arg16[%swap3A_63] {strides = array<i32>} : memref<128xi32, #tpu.memory_space<vmem>>, vector<16xi32>,
    %swap3A_65 = vector.shape_cast %swap3A_64 : vector<16xi32> to vector<16xi32>
    %swap3A_66 = vector.shape_cast %add3A_62 : vector<16xi32> to vector<16xi32>
    tpu.vector_store %arg16[%swap3A_63], %swap3A_66 {strides = array<i32>} : memref<128xi32, #tpu.memory_space<vmem>>, vector<16xi32>,
    %get3A_67 = arith.constant 48 : index
    %get3A_68 = tpu.vector_load %arg12[%get3A_67] {strides = array<i32>} : memref<128xi32, #tpu.memory_space<vmem>>, vector<16xi32>,
    %get3A_69 = vector.shape_cast %get3A_68 : vector<16xi32> to vector<16xi32>
    %mul3A_70 = arith.constant 512 : i32
    %mul3A_71 = vector.broadcast %mul3A_70 : i32 to vector<16xi32>
    %mul3A_72 = arith.muli %get3A_69, %mul3A_71 : vector<16xi32>
    %add3A_73 = arith.constant 48 : i32
    %add3A_74 = vector.broadcast %add3A_73 : i32 to vector<16xi32>
    %add3A_75 = arith.addi %iota3A, %add3A_74 : vector<16xi32>
    %add3A_76 = arith.addi %mul3A_72, %add3A_75 : vector<16xi32>
    %swap3A_77 = arith.constant 48 : index
    %swap3A_78 = tpu.vector_load %arg16[%swap3A_77] {strides = array<i32>} : memref<128xi32, #tpu.memory_space<vmem>>, vector<16xi32>,
    %swap3A_79 = vector.shape_cast %swap3A_78 : vector<16xi32> to vector<16xi32>
    %swap3A_80 = vector.shape_cast %add3A_76 : vector<16xi32> to vector<16xi32>
    tpu.vector_store %arg16[%swap3A_77], %swap3A_80 {strides = array<i32>} : memref<128xi32, #tpu.memory_space<vmem>>, vector<16xi32>,
    %get3A_81 = arith.constant 64 : index
    %get3A_82 = tpu.vector_load %arg12[%get3A_81] {strides = array<i32>} : memref<128xi32, #tpu.memory_space<vmem>>, vector<16xi32>,
    %get3A_83 = vector.shape_cast %get3A_82 : vector<16xi32> to vector<16xi32>
    %mul3A_84 = arith.constant 512 : i32
    %mul3A_85 = vector.broadcast %mul3A_84 : i32 to vector<16xi32>
    %mul3A_86 = arith.muli %get3A_83, %mul3A_85 : vector<16xi32>
    %add3A_87 = arith.constant 64 : i32
    %add3A_88 = vector.broadcast %add3A_87 : i32 to vector<16xi32>
    %add3A_89 = arith.addi %iota3A, %add3A_88 : vector<16xi32>
    %add3A_90 = arith.addi %mul3A_86, %add3A_89 : vector<16xi32>
    %swap3A_91 = arith.constant 64 : index
    %swap3A_92 = tpu.vector_load %arg16[%swap3A_91] {strides = array<i32>} : memref<128xi32, #tpu.memory_space<vmem>>, vector<16xi32>,
    %swap3A_93 = vector.shape_cast %swap3A_92 : vector<16xi32> to vector<16xi32>
    %swap3A_94 = vector.shape_cast %add3A_90 : vector<16xi32> to vector<16xi32>
    tpu.vector_store %arg16[%swap3A_91], %swap3A_94 {strides = array<i32>} : memref<128xi32, #tpu.memory_space<vmem>>, vector<16xi32>,
    %get3A_95 = arith.constant 80 : index
    %get3A_96 = tpu.vector_load %arg12[%get3A_95] {strides = array<i32>} : memref<128xi32, #tpu.memory_space<vmem>>, vector<16xi32>,
    %get3A_97 = vector.shape_cast %get3A_96 : vector<16xi32> to vector<16xi32>
    %mul3A_98 = arith.constant 512 : i32
    %mul3A_99 = vector.broadcast %mul3A_98 : i32 to vector<16xi32>
    %mul3A_100 = arith.muli %get3A_97, %mul3A_99 : vector<16xi32>
    %add3A_101 = arith.constant 80 : i32
    %add3A_102 = vector.broadcast %add3A_101 : i32 to vector<16xi32>
    %add3A_103 = arith.addi %iota3A, %add3A_102 : vector<16xi32>
    %add3A_104 = arith.addi %mul3A_100, %add3A_103 : vector<16xi32>
    %swap3A_105 = arith.constant 80 : index
    %swap3A_106 = tpu.vector_load %arg16[%swap3A_105] {strides = array<i32>} : memref<128xi32, #tpu.memory_space<vmem>>, vector<16xi32>,
    %swap3A_107 = vector.shape_cast %swap3A_106 : vector<16xi32> to vector<16xi32>
    %swap3A_108 = vector.shape_cast %add3A_104 : vector<16xi32> to vector<16xi32>
    tpu.vector_store %arg16[%swap3A_105], %swap3A_108 {strides = array<i32>} : memref<128xi32, #tpu.memory_space<vmem>>, vector<16xi32>,
    %get3A_109 = arith.constant 96 : index
    %get3A_110 = tpu.vector_load %arg12[%get3A_109] {strides = array<i32>} : memref<128xi32, #tpu.memory_space<vmem>>, vector<16xi32>,
    %get3A_111 = vector.shape_cast %get3A_110 : vector<16xi32> to vector<16xi32>
    %mul3A_112 = arith.constant 512 : i32
    %mul3A_113 = vector.broadcast %mul3A_112 : i32 to vector<16xi32>
    %mul3A_114 = arith.muli %get3A_111, %mul3A_113 : vector<16xi32>
    %add3A_115 = arith.constant 96 : i32
    %add3A_116 = vector.broadcast %add3A_115 : i32 to vector<16xi32>
    %add3A_117 = arith.addi %iota3A, %add3A_116 : vector<16xi32>
    %add3A_118 = arith.addi %mul3A_114, %add3A_117 : vector<16xi32>
    %swap3A_119 = arith.constant 96 : index
    %swap3A_120 = tpu.vector_load %arg16[%swap3A_119] {strides = array<i32>} : memref<128xi32, #tpu.memory_space<vmem>>, vector<16xi32>,
    %swap3A_121 = vector.shape_cast %swap3A_120 : vector<16xi32> to vector<16xi32>
    %swap3A_122 = vector.shape_cast %add3A_118 : vector<16xi32> to vector<16xi32>
    tpu.vector_store %arg16[%swap3A_119], %swap3A_122 {strides = array<i32>} : memref<128xi32, #tpu.memory_space<vmem>>, vector<16xi32>,
    %get3A_123 = arith.constant 112 : index
    %get3A_124 = tpu.vector_load %arg12[%get3A_123] {strides = array<i32>} : memref<128xi32, #tpu.memory_space<vmem>>, vector<16xi32>,
    %get3A_125 = vector.shape_cast %get3A_124 : vector<16xi32> to vector<16xi32>
    %mul3A_126 = arith.constant 512 : i32
    %mul3A_127 = vector.broadcast %mul3A_126 : i32 to vector<16xi32>
    %mul3A_128 = arith.muli %get3A_125, %mul3A_127 : vector<16xi32>
    %add3A_129 = arith.constant 112 : i32
    %add3A_130 = vector.broadcast %add3A_129 : i32 to vector<16xi32>
    %add3A_131 = arith.addi %iota3A, %add3A_130 : vector<16xi32>
    %add3A_132 = arith.addi %mul3A_128, %add3A_131 : vector<16xi32>
    %swap3A_133 = arith.constant 112 : index
    %swap3A_134 = tpu.vector_load %arg16[%swap3A_133] {strides = array<i32>} : memref<128xi32, #tpu.memory_space<vmem>>, vector<16xi32>,
    %swap3A_135 = vector.shape_cast %swap3A_134 : vector<16xi32> to vector<16xi32>
    %swap3A_136 = vector.shape_cast %add3A_132 : vector<16xi32> to vector<16xi32>
    tpu.vector_store %arg16[%swap3A_133], %swap3A_136 {strides = array<i32>} : memref<128xi32, #tpu.memory_space<vmem>>, vector<16xi32>,
    %dma_start3A_137 = arith.constant 0 : i32
    %dma_start3A_138 = arith.constant 0 : i32
    %dma_start3A_139 = tpu.memref_slice %arg7[%dma_start3A_137, %dma_start3A_138] : memref<1536x128xf32, #tpu.memory_space<vmem_shared>> -> memref<1536x128xf32, #tpu.memory_space<vmem_shared>>
    tpu.enqueue_indirect_dma source(%dma_start3A_139 : memref<1536x128xf32, #tpu.memory_space<vmem_shared>>) target(%arg20 : memref<128x128xf32, #tpu.memory_space<vmem>>) offsets(%arg16 : memref<128xi32, #tpu.memory_space<vmem>>) semaphore(%arg28 : memref<!tpu.dma_semaphore, #tpu.memory_space<semaphore_mem>>)
    %scan3A = arith.constant 0 : i32
    %scan3A_140 = arith.constant 0 : i32
    %scan3A_141 = arith.constant 32 : i32
    %scan3A_142 = arith.addi %scan3A_140, %scan3A_141 : i32
    %scan3A_143 = arith.constant 1 : i32
    scf.for %scan3A_178 = %scan3A_140 to %scan3A_142 step %scan3A_143  : i32 {
      %mul3A_179 = arith.constant 4 : i32
      %mul3A_180 = arith.muli %scan3A_178, %mul3A_179 : i32
      %add3A_181 = arith.constant 0 : i32
      %add3A_182 = arith.addi %mul3A_180, %add3A_181 : i32
      %dma_wait3A_183 = arith.constant 0 : i32
      %dma_wait3A_184 = arith.constant 0 : i32
      %dma_wait3A_185 = tpu.memref_slice %arg7[%dma_wait3A_183, %dma_wait3A_184] : memref<1536x128xf32, #tpu.memory_space<vmem_shared>> -> memref<1536x128xf32, #tpu.memory_space<vmem_shared>>
      tpu.wait_indirect_dma semaphore(%arg28 : memref<!tpu.dma_semaphore, #tpu.memory_space<semaphore_mem>>) src(%dma_wait3A_185 : memref<1536x128xf32, #tpu.memory_space<vmem_shared>>) dst(%arg20 : memref<128x128xf32, #tpu.memory_space<vmem>>)
      %dma_start3A_186 = arith.constant 0 : i32
      %dma_start3A_187 = arith.constant 0 : i32
      %dma_start3A_188 = tpu.memref_slice %arg4[%dma_start3A_186, %dma_start3A_187] : memref<100000x128xf32, #tpu.memory_space<hbm>> -> memref<100000x128xf32, #tpu.memory_space<hbm>>
      tpu.enqueue_indirect_dma source(%dma_start3A_188 : memref<100000x128xf32, #tpu.memory_space<hbm>>) target(%arg20 : memref<128x128xf32, #tpu.memory_space<vmem>>) offsets(%arg8 : memref<128xi32, #tpu.memory_space<vmem>>) semaphore(%arg32 : memref<!tpu.dma_semaphore, #tpu.memory_space<semaphore_mem>>) {add = true}
      %add3A_189 = arith.constant 2 : i32
      %add3A_190 = arith.addi %add3A_182, %add3A_189 : i32
      %lt3A = arith.constant 128 : i32
      %lt3A_191 = arith.cmpi slt, %add3A_190, %lt3A : i32
      %convert_element_type3A = arith.extui %lt3A_191 : i1 to i32
      %cond3A = arith.constant 0 : i32
      %cond3A_192 = arith.cmpi ne, %convert_element_type3A, %cond3A : i32
      scf.if %cond3A_192 {
        %add3A_291 = arith.constant 2 : i32
        %add3A_292 = arith.addi %add3A_182, %add3A_291 : i32
        %mul3A_293 = arith.constant 128 : i32
        %mul3A_294 = arith.muli %add3A_292, %mul3A_293 : i32
        %add3A_295 = arith.addi %mul3A_4, %mul3A_294 : i32
        %dma_start3A_296 = tpu.memref_slice %arg2[%add3A_295] : memref<524288xi32, #tpu.memory_space<hbm>> -> memref<128xi32, #tpu.memory_space<hbm>>
        %dma_start3A_297 = tpu.memref_slice %arg2[%add3A_295] : memref<524288xi32, #tpu.memory_space<hbm>> -> memref<128xi32, #tpu.memory_space<hbm>>
        tpu.enqueue_dma source(%dma_start3A_297 : memref<128xi32, #tpu.memory_space<hbm>>) target(%arg10 : memref<128xi32, #tpu.memory_space<vmem>>) target_semaphore(%arg26 : memref<!tpu.dma_semaphore, #tpu.memory_space<semaphore_mem>>)
        %dma_start3A_298 = tpu.memref_slice %arg3[%add3A_295] : memref<524288xi32, #tpu.memory_space<hbm>> -> memref<128xi32, #tpu.memory_space<hbm>>
        %dma_start3A_299 = tpu.memref_slice %arg3[%add3A_295] : memref<524288xi32, #tpu.memory_space<hbm>> -> memref<128xi32, #tpu.memory_space<hbm>>
        tpu.enqueue_dma source(%dma_start3A_299 : memref<128xi32, #tpu.memory_space<hbm>>) target(%arg14 : memref<128xi32, #tpu.memory_space<vmem>>) target_semaphore(%arg26 : memref<!tpu.dma_semaphore, #tpu.memory_space<semaphore_mem>>)
      } else {
      }
      %add3A_193 = arith.constant 1 : i32
      %add3A_194 = arith.addi %add3A_182, %add3A_193 : i32
      %lt3A_195 = arith.constant 128 : i32
      %lt3A_196 = arith.cmpi slt, %add3A_194, %lt3A_195 : i32
      %convert_element_type3A_197 = arith.extui %lt3A_196 : i1 to i32
      %cond3A_198 = arith.constant 0 : i32
      %cond3A_199 = arith.cmpi ne, %convert_element_type3A_197, %cond3A_198 : i32
      scf.if %cond3A_199 {
        %dma_wait3A_291 = arith.constant 0 : i32
        %dma_wait3A_292 = tpu.memref_slice %arg2[%dma_wait3A_291] : memref<524288xi32, #tpu.memory_space<hbm>> -> memref<128xi32, #tpu.memory_space<hbm>>
        %dma_wait3A_293 = arith.constant 0 : i32
        %dma_wait3A_294 = tpu.memref_slice %arg2[%dma_wait3A_293] : memref<524288xi32, #tpu.memory_space<hbm>> -> memref<128xi32, #tpu.memory_space<hbm>>
        tpu.wait_dma2 semaphore(%arg25 : memref<!tpu.dma_semaphore, #tpu.memory_space<semaphore_mem>>) src(%dma_wait3A_294 : memref<128xi32, #tpu.memory_space<hbm>>) dst(%arg9 : memref<128xi32, #tpu.memory_space<vmem>>)
        %dma_wait3A_295 = arith.constant 0 : i32
        %dma_wait3A_296 = tpu.memref_slice %arg2[%dma_wait3A_295] : memref<524288xi32, #tpu.memory_space<hbm>> -> memref<128xi32, #tpu.memory_space<hbm>>
        %dma_wait3A_297 = arith.constant 0 : i32
        %dma_wait3A_298 = tpu.memref_slice %arg2[%dma_wait3A_297] : memref<524288xi32, #tpu.memory_space<hbm>> -> memref<128xi32, #tpu.memory_space<hbm>>
        tpu.wait_dma2 semaphore(%arg25 : memref<!tpu.dma_semaphore, #tpu.memory_space<semaphore_mem>>) src(%dma_wait3A_298 : memref<128xi32, #tpu.memory_space<hbm>>) dst(%arg13 : memref<128xi32, #tpu.memory_space<vmem>>)
        %ge3A_299 = arith.constant 3 : i32
        %ge3A_300 = arith.cmpi sge, %add3A_182, %ge3A_299 : i32
        %convert_element_type3A_301 = arith.extui %ge3A_300 : i1 to i32
        %cond3A_302 = arith.constant 0 : i32
        %cond3A_303 = arith.cmpi ne, %convert_element_type3A_301, %cond3A_302 : i32
        scf.if %cond3A_303 {
          %dma_wait3A_421 = arith.constant 0 : i32
          %dma_wait3A_422 = arith.constant 0 : i32
          %dma_wait3A_423 = tpu.memref_slice %arg6[%dma_wait3A_421, %dma_wait3A_422] : memref<524288x128xf32, #tpu.memory_space<hbm>> -> memref<128x128xf32, #tpu.memory_space<hbm>>
          %dma_wait3A_424 = arith.constant 0 : i32
          %dma_wait3A_425 = arith.constant 0 : i32
          %dma_wait3A_426 = tpu.memref_slice %arg6[%dma_wait3A_424, %dma_wait3A_425] : memref<524288x128xf32, #tpu.memory_space<hbm>> -> memref<128x128xf32, #tpu.memory_space<hbm>>
          tpu.wait_dma2 semaphore(%arg37 : memref<!tpu.dma_semaphore, #tpu.memory_space<semaphore_mem>>) src(%arg21 : memref<128x128xf32, #tpu.memory_space<vmem>>) dst(%dma_wait3A_426 : memref<128x128xf32, #tpu.memory_space<hbm>>)
        } else {
        }
        %add3A_304 = arith.constant 1 : i32
        %add3A_305 = arith.addi %add3A_182, %add3A_304 : i32
        %get3A_306 = arith.constant 0 : index
        %get3A_307 = tpu.vector_load %arg13[%get3A_306] {strides = array<i32>} : memref<128xi32, #tpu.memory_space<vmem>>, vector<16xi32>,
        %get3A_308 = vector.shape_cast %get3A_307 : vector<16xi32> to vector<16xi32>
        %mul3A_309 = arith.constant 512 : i32
        %mul3A_310 = vector.broadcast %mul3A_309 : i32 to vector<16xi32>
        %mul3A_311 = arith.muli %get3A_308, %mul3A_310 : vector<16xi32>
        %add3A_312 = arith.constant 128 : i32
        %add3A_313 = vector.broadcast %add3A_312 : i32 to vector<16xi32>
        %add3A_314 = arith.addi %iota3A, %add3A_313 : vector<16xi32>
        %add3A_315 = arith.addi %mul3A_311, %add3A_314 : vector<16xi32>
        %swap3A_316 = arith.constant 0 : index
        %swap3A_317 = tpu.vector_load %arg17[%swap3A_316] {strides = array<i32>} : memref<128xi32, #tpu.memory_space<vmem>>, vector<16xi32>,
        %swap3A_318 = vector.shape_cast %swap3A_317 : vector<16xi32> to vector<16xi32>
        %swap3A_319 = vector.shape_cast %add3A_315 : vector<16xi32> to vector<16xi32>
        tpu.vector_store %arg17[%swap3A_316], %swap3A_319 {strides = array<i32>} : memref<128xi32, #tpu.memory_space<vmem>>, vector<16xi32>,
        %get3A_320 = arith.constant 16 : index
        %get3A_321 = tpu.vector_load %arg13[%get3A_320] {strides = array<i32>} : memref<128xi32, #tpu.memory_space<vmem>>, vector<16xi32>,
        %get3A_322 = vector.shape_cast %get3A_321 : vector<16xi32> to vector<16xi32>
        %mul3A_323 = arith.constant 512 : i32
        %mul3A_324 = vector.broadcast %mul3A_323 : i32 to vector<16xi32>
        %mul3A_325 = arith.muli %get3A_322, %mul3A_324 : vector<16xi32>
        %add3A_326 = arith.constant 144 : i32
        %add3A_327 = vector.broadcast %add3A_326 : i32 to vector<16xi32>
        %add3A_328 = arith.addi %iota3A, %add3A_327 : vector<16xi32>
        %add3A_329 = arith.addi %mul3A_325, %add3A_328 : vector<16xi32>
        %swap3A_330 = arith.constant 16 : index
        %swap3A_331 = tpu.vector_load %arg17[%swap3A_330] {strides = array<i32>} : memref<128xi32, #tpu.memory_space<vmem>>, vector<16xi32>,
        %swap3A_332 = vector.shape_cast %swap3A_331 : vector<16xi32> to vector<16xi32>
        %swap3A_333 = vector.shape_cast %add3A_329 : vector<16xi32> to vector<16xi32>
        tpu.vector_store %arg17[%swap3A_330], %swap3A_333 {strides = array<i32>} : memref<128xi32, #tpu.memory_space<vmem>>, vector<16xi32>,
        %get3A_334 = arith.constant 32 : index
        %get3A_335 = tpu.vector_load %arg13[%get3A_334] {strides = array<i32>} : memref<128xi32, #tpu.memory_space<vmem>>, vector<16xi32>,
        %get3A_336 = vector.shape_cast %get3A_335 : vector<16xi32> to vector<16xi32>
        %mul3A_337 = arith.constant 512 : i32
        %mul3A_338 = vector.broadcast %mul3A_337 : i32 to vector<16xi32>
        %mul3A_339 = arith.muli %get3A_336, %mul3A_338 : vector<16xi32>
        %add3A_340 = arith.constant 160 : i32
        %add3A_341 = vector.broadcast %add3A_340 : i32 to vector<16xi32>
        %add3A_342 = arith.addi %iota3A, %add3A_341 : vector<16xi32>
        %add3A_343 = arith.addi %mul3A_339, %add3A_342 : vector<16xi32>
        %swap3A_344 = arith.constant 32 : index
        %swap3A_345 = tpu.vector_load %arg17[%swap3A_344] {strides = array<i32>} : memref<128xi32, #tpu.memory_space<vmem>>, vector<16xi32>,
        %swap3A_346 = vector.shape_cast %swap3A_345 : vector<16xi32> to vector<16xi32>
        %swap3A_347 = vector.shape_cast %add3A_343 : vector<16xi32> to vector<16xi32>
        tpu.vector_store %arg17[%swap3A_344], %swap3A_347 {strides = array<i32>} : memref<128xi32, #tpu.memory_space<vmem>>, vector<16xi32>,
        %get3A_348 = arith.constant 48 : index
        %get3A_349 = tpu.vector_load %arg13[%get3A_348] {strides = array<i32>} : memref<128xi32, #tpu.memory_space<vmem>>, vector<16xi32>,
        %get3A_350 = vector.shape_cast %get3A_349 : vector<16xi32> to vector<16xi32>
        %mul3A_351 = arith.constant 512 : i32
        %mul3A_352 = vector.broadcast %mul3A_351 : i32 to vector<16xi32>
        %mul3A_353 = arith.muli %get3A_350, %mul3A_352 : vector<16xi32>
        %add3A_354 = arith.constant 176 : i32
        %add3A_355 = vector.broadcast %add3A_354 : i32 to vector<16xi32>
        %add3A_356 = arith.addi %iota3A, %add3A_355 : vector<16xi32>
        %add3A_357 = arith.addi %mul3A_353, %add3A_356 : vector<16xi32>
        %swap3A_358 = arith.constant 48 : index
        %swap3A_359 = tpu.vector_load %arg17[%swap3A_358] {strides = array<i32>} : memref<128xi32, #tpu.memory_space<vmem>>, vector<16xi32>,
        %swap3A_360 = vector.shape_cast %swap3A_359 : vector<16xi32> to vector<16xi32>
        %swap3A_361 = vector.shape_cast %add3A_357 : vector<16xi32> to vector<16xi32>
        tpu.vector_store %arg17[%swap3A_358], %swap3A_361 {strides = array<i32>} : memref<128xi32, #tpu.memory_space<vmem>>, vector<16xi32>,
        %get3A_362 = arith.constant 64 : index
        %get3A_363 = tpu.vector_load %arg13[%get3A_362] {strides = array<i32>} : memref<128xi32, #tpu.memory_space<vmem>>, vector<16xi32>,
        %get3A_364 = vector.shape_cast %get3A_363 : vector<16xi32> to vector<16xi32>
        %mul3A_365 = arith.constant 512 : i32
        %mul3A_366 = vector.broadcast %mul3A_365 : i32 to vector<16xi32>
        %mul3A_367 = arith.muli %get3A_364, %mul3A_366 : vector<16xi32>
        %add3A_368 = arith.constant 192 : i32
        %add3A_369 = vector.broadcast %add3A_368 : i32 to vector<16xi32>
        %add3A_370 = arith.addi %iota3A, %add3A_369 : vector<16xi32>
        %add3A_371 = arith.addi %mul3A_367, %add3A_370 : vector<16xi32>
        %swap3A_372 = arith.constant 64 : index
        %swap3A_373 = tpu.vector_load %arg17[%swap3A_372] {strides = array<i32>} : memref<128xi32, #tpu.memory_space<vmem>>, vector<16xi32>,
        %swap3A_374 = vector.shape_cast %swap3A_373 : vector<16xi32> to vector<16xi32>
        %swap3A_375 = vector.shape_cast %add3A_371 : vector<16xi32> to vector<16xi32>
        tpu.vector_store %arg17[%swap3A_372], %swap3A_375 {strides = array<i32>} : memref<128xi32, #tpu.memory_space<vmem>>, vector<16xi32>,
        %get3A_376 = arith.constant 80 : index
        %get3A_377 = tpu.vector_load %arg13[%get3A_376] {strides = array<i32>} : memref<128xi32, #tpu.memory_space<vmem>>, vector<16xi32>,
        %get3A_378 = vector.shape_cast %get3A_377 : vector<16xi32> to vector<16xi32>
        %mul3A_379 = arith.constant 512 : i32
        %mul3A_380 = vector.broadcast %mul3A_379 : i32 to vector<16xi32>
        %mul3A_381 = arith.muli %get3A_378, %mul3A_380 : vector<16xi32>
        %add3A_382 = arith.constant 208 : i32
        %add3A_383 = vector.broadcast %add3A_382 : i32 to vector<16xi32>
        %add3A_384 = arith.addi %iota3A, %add3A_383 : vector<16xi32>
        %add3A_385 = arith.addi %mul3A_381, %add3A_384 : vector<16xi32>
        %swap3A_386 = arith.constant 80 : index
        %swap3A_387 = tpu.vector_load %arg17[%swap3A_386] {strides = array<i32>} : memref<128xi32, #tpu.memory_space<vmem>>, vector<16xi32>,
        %swap3A_388 = vector.shape_cast %swap3A_387 : vector<16xi32> to vector<16xi32>
        %swap3A_389 = vector.shape_cast %add3A_385 : vector<16xi32> to vector<16xi32>
        tpu.vector_store %arg17[%swap3A_386], %swap3A_389 {strides = array<i32>} : memref<128xi32, #tpu.memory_space<vmem>>, vector<16xi32>,
        %get3A_390 = arith.constant 96 : index
        %get3A_391 = tpu.vector_load %arg13[%get3A_390] {strides = array<i32>} : memref<128xi32, #tpu.memory_space<vmem>>, vector<16xi32>,
        %get3A_392 = vector.shape_cast %get3A_391 : vector<16xi32> to vector<16xi32>
        %mul3A_393 = arith.constant 512 : i32
        %mul3A_394 = vector.broadcast %mul3A_393 : i32 to vector<16xi32>
        %mul3A_395 = arith.muli %get3A_392, %mul3A_394 : vector<16xi32>
        %add3A_396 = arith.constant 224 : i32
        %add3A_397 = vector.broadcast %add3A_396 : i32 to vector<16xi32>
        %add3A_398 = arith.addi %iota3A, %add3A_397 : vector<16xi32>
        %add3A_399 = arith.addi %mul3A_395, %add3A_398 : vector<16xi32>
        %swap3A_400 = arith.constant 96 : index
        %swap3A_401 = tpu.vector_load %arg17[%swap3A_400] {strides = array<i32>} : memref<128xi32, #tpu.memory_space<vmem>>, vector<16xi32>,
        %swap3A_402 = vector.shape_cast %swap3A_401 : vector<16xi32> to vector<16xi32>
        %swap3A_403 = vector.shape_cast %add3A_399 : vector<16xi32> to vector<16xi32>
        tpu.vector_store %arg17[%swap3A_400], %swap3A_403 {strides = array<i32>} : memref<128xi32, #tpu.memory_space<vmem>>, vector<16xi32>,
        %get3A_404 = arith.constant 112 : index
        %get3A_405 = tpu.vector_load %arg13[%get3A_404] {strides = array<i32>} : memref<128xi32, #tpu.memory_space<vmem>>, vector<16xi32>,
        %get3A_406 = vector.shape_cast %get3A_405 : vector<16xi32> to vector<16xi32>
        %mul3A_407 = arith.constant 512 : i32
        %mul3A_408 = vector.broadcast %mul3A_407 : i32 to vector<16xi32>
        %mul3A_409 = arith.muli %get3A_406, %mul3A_408 : vector<16xi32>
        %add3A_410 = arith.constant 240 : i32
        %add3A_411 = vector.broadcast %add3A_410 : i32 to vector<16xi32>
        %add3A_412 = arith.addi %iota3A, %add3A_411 : vector<16xi32>
        %add3A_413 = arith.addi %mul3A_409, %add3A_412 : vector<16xi32>
        %swap3A_414 = arith.constant 112 : index
        %swap3A_415 = tpu.vector_load %arg17[%swap3A_414] {strides = array<i32>} : memref<128xi32, #tpu.memory_space<vmem>>, vector<16xi32>,
        %swap3A_416 = vector.shape_cast %swap3A_415 : vector<16xi32> to vector<16xi32>
        %swap3A_417 = vector.shape_cast %add3A_413 : vector<16xi32> to vector<16xi32>
        tpu.vector_store %arg17[%swap3A_414], %swap3A_417 {strides = array<i32>} : memref<128xi32, #tpu.memory_space<vmem>>, vector<16xi32>,
        %dma_start3A_418 = arith.constant 0 : i32
        %dma_start3A_419 = arith.constant 0 : i32
        %dma_start3A_420 = tpu.memref_slice %arg7[%dma_start3A_418, %dma_start3A_419] : memref<1536x128xf32, #tpu.memory_space<vmem_shared>> -> memref<1536x128xf32, #tpu.memory_space<vmem_shared>>
        tpu.enqueue_indirect_dma source(%dma_start3A_420 : memref<1536x128xf32, #tpu.memory_space<vmem_shared>>) target(%arg21 : memref<128x128xf32, #tpu.memory_space<vmem>>) offsets(%arg17 : memref<128xi32, #tpu.memory_space<vmem>>) semaphore(%arg29 : memref<!tpu.dma_semaphore, #tpu.memory_space<semaphore_mem>>)
      } else {
      }
      %ge3A = arith.constant 1 : i32
      %ge3A_200 = arith.cmpi sge, %add3A_182, %ge3A : i32
      %convert_element_type3A_201 = arith.extui %ge3A_200 : i1 to i32
      %cond3A_202 = arith.constant 0 : i32
      %cond3A_203 = arith.cmpi ne, %convert_element_type3A_201, %cond3A_202 : i32
      scf.if %cond3A_203 {
        %dma_wait3A_291 = arith.constant 0 : i32
        %dma_wait3A_292 = arith.constant 0 : i32
        %dma_wait3A_293 = tpu.memref_slice %arg4[%dma_wait3A_291, %dma_wait3A_292] : memref<100000x128xf32, #tpu.memory_space<hbm>> -> memref<100000x128xf32, #tpu.memory_space<hbm>>
        tpu.wait_indirect_dma semaphore(%arg35 : memref<!tpu.dma_semaphore, #tpu.memory_space<semaphore_mem>>) src(%dma_wait3A_293 : memref<100000x128xf32, #tpu.memory_space<hbm>>) dst(%arg23 : memref<128x128xf32, #tpu.memory_space<vmem>>)
        %sub3A = arith.constant 1 : i32
        %sub3A_294 = arith.subi %add3A_182, %sub3A : i32
        %mul3A_295 = arith.constant 128 : i32
        %mul3A_296 = arith.muli %sub3A_294, %mul3A_295 : i32
        %add3A_297 = arith.addi %mul3A_4, %mul3A_296 : i32
        %dma_start3A_298 = arith.constant 0 : i32
        %dma_start3A_299 = tpu.memref_slice %arg6[%add3A_297, %dma_start3A_298] : memref<524288x128xf32, #tpu.memory_space<hbm>> -> memref<128x128xf32, #tpu.memory_space<hbm>>
        %dma_start3A_300 = arith.constant 0 : i32
        %dma_start3A_301 = tpu.memref_slice %arg6[%add3A_297, %dma_start3A_300] : memref<524288x128xf32, #tpu.memory_space<hbm>> -> memref<128x128xf32, #tpu.memory_space<hbm>>
        tpu.enqueue_dma source(%arg23 : memref<128x128xf32, #tpu.memory_space<vmem>>) target(%dma_start3A_301 : memref<128x128xf32, #tpu.memory_space<hbm>>) target_semaphore(%arg39 : memref<!tpu.dma_semaphore, #tpu.memory_space<semaphore_mem>>)
      } else {
      }
      %mul3A_204 = arith.constant 4 : i32
      %mul3A_205 = arith.muli %scan3A_178, %mul3A_204 : i32
      %add3A_206 = arith.constant 1 : i32
      %add3A_207 = arith.addi %mul3A_205, %add3A_206 : i32
      %dma_wait3A_208 = arith.constant 0 : i32
      %dma_wait3A_209 = arith.constant 0 : i32
      %dma_wait3A_210 = tpu.memref_slice %arg7[%dma_wait3A_208, %dma_wait3A_209] : memref<1536x128xf32, #tpu.memory_space<vmem_shared>> -> memref<1536x128xf32, #tpu.memory_space<vmem_shared>>
      tpu.wait_indirect_dma semaphore(%arg29 : memref<!tpu.dma_semaphore, #tpu.memory_space<semaphore_mem>>) src(%dma_wait3A_210 : memref<1536x128xf32, #tpu.memory_space<vmem_shared>>) dst(%arg21 : memref<128x128xf32, #tpu.memory_space<vmem>>)
      %dma_start3A_211 = arith.constant 0 : i32
      %dma_start3A_212 = arith.constant 0 : i32
      %dma_start3A_213 = tpu.memref_slice %arg4[%dma_start3A_211, %dma_start3A_212] : memref<100000x128xf32, #tpu.memory_space<hbm>> -> memref<100000x128xf32, #tpu.memory_space<hbm>>
      tpu.enqueue_indirect_dma source(%dma_start3A_213 : memref<100000x128xf32, #tpu.memory_space<hbm>>) target(%arg21 : memref<128x128xf32, #tpu.memory_space<vmem>>) offsets(%arg9 : memref<128xi32, #tpu.memory_space<vmem>>) semaphore(%arg33 : memref<!tpu.dma_semaphore, #tpu.memory_space<semaphore_mem>>) {add = true}
      %add3A_214 = arith.constant 2 : i32
      %add3A_215 = arith.addi %add3A_207, %add3A_214 : i32
      %lt3A_216 = arith.constant 128 : i32
      %lt3A_217 = arith.cmpi slt, %add3A_215, %lt3A_216 : i32
      %convert_element_type3A_218 = arith.extui %lt3A_217 : i1 to i32
      %cond3A_219 = arith.constant 0 : i32
      %cond3A_220 = arith.cmpi ne, %convert_element_type3A_218, %cond3A_219 : i32
      scf.if %cond3A_220 {
        %add3A_291 = arith.constant 2 : i32
        %add3A_292 = arith.addi %add3A_207, %add3A_291 : i32
        %mul3A_293 = arith.constant 128 : i32
        %mul3A_294 = arith.muli %add3A_292, %mul3A_293 : i32
        %add3A_295 = arith.addi %mul3A_4, %mul3A_294 : i32
        %dma_start3A_296 = tpu.memref_slice %arg2[%add3A_295] : memref<524288xi32, #tpu.memory_space<hbm>> -> memref<128xi32, #tpu.memory_space<hbm>>
        %dma_start3A_297 = tpu.memref_slice %arg2[%add3A_295] : memref<524288xi32, #tpu.memory_space<hbm>> -> memref<128xi32, #tpu.memory_space<hbm>>
        tpu.enqueue_dma source(%dma_start3A_297 : memref<128xi32, #tpu.memory_space<hbm>>) target(%arg11 : memref<128xi32, #tpu.memory_space<vmem>>) target_semaphore(%arg27 : memref<!tpu.dma_semaphore, #tpu.memory_space<semaphore_mem>>)
        %dma_start3A_298 = tpu.memref_slice %arg3[%add3A_295] : memref<524288xi32, #tpu.memory_space<hbm>> -> memref<128xi32, #tpu.memory_space<hbm>>
        %dma_start3A_299 = tpu.memref_slice %arg3[%add3A_295] : memref<524288xi32, #tpu.memory_space<hbm>> -> memref<128xi32, #tpu.memory_space<hbm>>
        tpu.enqueue_dma source(%dma_start3A_299 : memref<128xi32, #tpu.memory_space<hbm>>) target(%arg15 : memref<128xi32, #tpu.memory_space<vmem>>) target_semaphore(%arg27 : memref<!tpu.dma_semaphore, #tpu.memory_space<semaphore_mem>>)
      } else {
      }
      %add3A_221 = arith.constant 1 : i32
      %add3A_222 = arith.addi %add3A_207, %add3A_221 : i32
      %lt3A_223 = arith.constant 128 : i32
      %lt3A_224 = arith.cmpi slt, %add3A_222, %lt3A_223 : i32
      %convert_element_type3A_225 = arith.extui %lt3A_224 : i1 to i32
      %cond3A_226 = arith.constant 0 : i32
      %cond3A_227 = arith.cmpi ne, %convert_element_type3A_225, %cond3A_226 : i32
      scf.if %cond3A_227 {
        %dma_wait3A_291 = arith.constant 0 : i32
        %dma_wait3A_292 = tpu.memref_slice %arg2[%dma_wait3A_291] : memref<524288xi32, #tpu.memory_space<hbm>> -> memref<128xi32, #tpu.memory_space<hbm>>
        %dma_wait3A_293 = arith.constant 0 : i32
        %dma_wait3A_294 = tpu.memref_slice %arg2[%dma_wait3A_293] : memref<524288xi32, #tpu.memory_space<hbm>> -> memref<128xi32, #tpu.memory_space<hbm>>
        tpu.wait_dma2 semaphore(%arg26 : memref<!tpu.dma_semaphore, #tpu.memory_space<semaphore_mem>>) src(%dma_wait3A_294 : memref<128xi32, #tpu.memory_space<hbm>>) dst(%arg10 : memref<128xi32, #tpu.memory_space<vmem>>)
        %dma_wait3A_295 = arith.constant 0 : i32
        %dma_wait3A_296 = tpu.memref_slice %arg2[%dma_wait3A_295] : memref<524288xi32, #tpu.memory_space<hbm>> -> memref<128xi32, #tpu.memory_space<hbm>>
        %dma_wait3A_297 = arith.constant 0 : i32
        %dma_wait3A_298 = tpu.memref_slice %arg2[%dma_wait3A_297] : memref<524288xi32, #tpu.memory_space<hbm>> -> memref<128xi32, #tpu.memory_space<hbm>>
        tpu.wait_dma2 semaphore(%arg26 : memref<!tpu.dma_semaphore, #tpu.memory_space<semaphore_mem>>) src(%dma_wait3A_298 : memref<128xi32, #tpu.memory_space<hbm>>) dst(%arg14 : memref<128xi32, #tpu.memory_space<vmem>>)
        %ge3A_299 = arith.constant 3 : i32
        %ge3A_300 = arith.cmpi sge, %add3A_207, %ge3A_299 : i32
        %convert_element_type3A_301 = arith.extui %ge3A_300 : i1 to i32
        %cond3A_302 = arith.constant 0 : i32
        %cond3A_303 = arith.cmpi ne, %convert_element_type3A_301, %cond3A_302 : i32
        scf.if %cond3A_303 {
          %dma_wait3A_421 = arith.constant 0 : i32
          %dma_wait3A_422 = arith.constant 0 : i32
          %dma_wait3A_423 = tpu.memref_slice %arg6[%dma_wait3A_421, %dma_wait3A_422] : memref<524288x128xf32, #tpu.memory_space<hbm>> -> memref<128x128xf32, #tpu.memory_space<hbm>>
          %dma_wait3A_424 = arith.constant 0 : i32
          %dma_wait3A_425 = arith.constant 0 : i32
          %dma_wait3A_426 = tpu.memref_slice %arg6[%dma_wait3A_424, %dma_wait3A_425] : memref<524288x128xf32, #tpu.memory_space<hbm>> -> memref<128x128xf32, #tpu.memory_space<hbm>>
          tpu.wait_dma2 semaphore(%arg38 : memref<!tpu.dma_semaphore, #tpu.memory_space<semaphore_mem>>) src(%arg22 : memref<128x128xf32, #tpu.memory_space<vmem>>) dst(%dma_wait3A_426 : memref<128x128xf32, #tpu.memory_space<hbm>>)
        } else {
        }
        %add3A_304 = arith.constant 1 : i32
        %add3A_305 = arith.addi %add3A_207, %add3A_304 : i32
        %get3A_306 = arith.constant 0 : index
        %get3A_307 = tpu.vector_load %arg14[%get3A_306] {strides = array<i32>} : memref<128xi32, #tpu.memory_space<vmem>>, vector<16xi32>,
        %get3A_308 = vector.shape_cast %get3A_307 : vector<16xi32> to vector<16xi32>
        %mul3A_309 = arith.constant 512 : i32
        %mul3A_310 = vector.broadcast %mul3A_309 : i32 to vector<16xi32>
        %mul3A_311 = arith.muli %get3A_308, %mul3A_310 : vector<16xi32>
        %add3A_312 = arith.constant 256 : i32
        %add3A_313 = vector.broadcast %add3A_312 : i32 to vector<16xi32>
        %add3A_314 = arith.addi %iota3A, %add3A_313 : vector<16xi32>
        %add3A_315 = arith.addi %mul3A_311, %add3A_314 : vector<16xi32>
        %swap3A_316 = arith.constant 0 : index
        %swap3A_317 = tpu.vector_load %arg18[%swap3A_316] {strides = array<i32>} : memref<128xi32, #tpu.memory_space<vmem>>, vector<16xi32>,
        %swap3A_318 = vector.shape_cast %swap3A_317 : vector<16xi32> to vector<16xi32>
        %swap3A_319 = vector.shape_cast %add3A_315 : vector<16xi32> to vector<16xi32>
        tpu.vector_store %arg18[%swap3A_316], %swap3A_319 {strides = array<i32>} : memref<128xi32, #tpu.memory_space<vmem>>, vector<16xi32>,
        %get3A_320 = arith.constant 16 : index
        %get3A_321 = tpu.vector_load %arg14[%get3A_320] {strides = array<i32>} : memref<128xi32, #tpu.memory_space<vmem>>, vector<16xi32>,
        %get3A_322 = vector.shape_cast %get3A_321 : vector<16xi32> to vector<16xi32>
        %mul3A_323 = arith.constant 512 : i32
        %mul3A_324 = vector.broadcast %mul3A_323 : i32 to vector<16xi32>
        %mul3A_325 = arith.muli %get3A_322, %mul3A_324 : vector<16xi32>
        %add3A_326 = arith.constant 272 : i32
        %add3A_327 = vector.broadcast %add3A_326 : i32 to vector<16xi32>
        %add3A_328 = arith.addi %iota3A, %add3A_327 : vector<16xi32>
        %add3A_329 = arith.addi %mul3A_325, %add3A_328 : vector<16xi32>
        %swap3A_330 = arith.constant 16 : index
        %swap3A_331 = tpu.vector_load %arg18[%swap3A_330] {strides = array<i32>} : memref<128xi32, #tpu.memory_space<vmem>>, vector<16xi32>,
        %swap3A_332 = vector.shape_cast %swap3A_331 : vector<16xi32> to vector<16xi32>
        %swap3A_333 = vector.shape_cast %add3A_329 : vector<16xi32> to vector<16xi32>
        tpu.vector_store %arg18[%swap3A_330], %swap3A_333 {strides = array<i32>} : memref<128xi32, #tpu.memory_space<vmem>>, vector<16xi32>,
        %get3A_334 = arith.constant 32 : index
        %get3A_335 = tpu.vector_load %arg14[%get3A_334] {strides = array<i32>} : memref<128xi32, #tpu.memory_space<vmem>>, vector<16xi32>,
        %get3A_336 = vector.shape_cast %get3A_335 : vector<16xi32> to vector<16xi32>
        %mul3A_337 = arith.constant 512 : i32
        %mul3A_338 = vector.broadcast %mul3A_337 : i32 to vector<16xi32>
        %mul3A_339 = arith.muli %get3A_336, %mul3A_338 : vector<16xi32>
        %add3A_340 = arith.constant 288 : i32
        %add3A_341 = vector.broadcast %add3A_340 : i32 to vector<16xi32>
        %add3A_342 = arith.addi %iota3A, %add3A_341 : vector<16xi32>
        %add3A_343 = arith.addi %mul3A_339, %add3A_342 : vector<16xi32>
        %swap3A_344 = arith.constant 32 : index
        %swap3A_345 = tpu.vector_load %arg18[%swap3A_344] {strides = array<i32>} : memref<128xi32, #tpu.memory_space<vmem>>, vector<16xi32>,
        %swap3A_346 = vector.shape_cast %swap3A_345 : vector<16xi32> to vector<16xi32>
        %swap3A_347 = vector.shape_cast %add3A_343 : vector<16xi32> to vector<16xi32>
        tpu.vector_store %arg18[%swap3A_344], %swap3A_347 {strides = array<i32>} : memref<128xi32, #tpu.memory_space<vmem>>, vector<16xi32>,
        %get3A_348 = arith.constant 48 : index
        %get3A_349 = tpu.vector_load %arg14[%get3A_348] {strides = array<i32>} : memref<128xi32, #tpu.memory_space<vmem>>, vector<16xi32>,
        %get3A_350 = vector.shape_cast %get3A_349 : vector<16xi32> to vector<16xi32>
        %mul3A_351 = arith.constant 512 : i32
        %mul3A_352 = vector.broadcast %mul3A_351 : i32 to vector<16xi32>
        %mul3A_353 = arith.muli %get3A_350, %mul3A_352 : vector<16xi32>
        %add3A_354 = arith.constant 304 : i32
        %add3A_355 = vector.broadcast %add3A_354 : i32 to vector<16xi32>
        %add3A_356 = arith.addi %iota3A, %add3A_355 : vector<16xi32>
        %add3A_357 = arith.addi %mul3A_353, %add3A_356 : vector<16xi32>
        %swap3A_358 = arith.constant 48 : index
        %swap3A_359 = tpu.vector_load %arg18[%swap3A_358] {strides = array<i32>} : memref<128xi32, #tpu.memory_space<vmem>>, vector<16xi32>,
        %swap3A_360 = vector.shape_cast %swap3A_359 : vector<16xi32> to vector<16xi32>
        %swap3A_361 = vector.shape_cast %add3A_357 : vector<16xi32> to vector<16xi32>
        tpu.vector_store %arg18[%swap3A_358], %swap3A_361 {strides = array<i32>} : memref<128xi32, #tpu.memory_space<vmem>>, vector<16xi32>,
        %get3A_362 = arith.constant 64 : index
        %get3A_363 = tpu.vector_load %arg14[%get3A_362] {strides = array<i32>} : memref<128xi32, #tpu.memory_space<vmem>>, vector<16xi32>,
        %get3A_364 = vector.shape_cast %get3A_363 : vector<16xi32> to vector<16xi32>
        %mul3A_365 = arith.constant 512 : i32
        %mul3A_366 = vector.broadcast %mul3A_365 : i32 to vector<16xi32>
        %mul3A_367 = arith.muli %get3A_364, %mul3A_366 : vector<16xi32>
        %add3A_368 = arith.constant 320 : i32
        %add3A_369 = vector.broadcast %add3A_368 : i32 to vector<16xi32>
        %add3A_370 = arith.addi %iota3A, %add3A_369 : vector<16xi32>
        %add3A_371 = arith.addi %mul3A_367, %add3A_370 : vector<16xi32>
        %swap3A_372 = arith.constant 64 : index
        %swap3A_373 = tpu.vector_load %arg18[%swap3A_372] {strides = array<i32>} : memref<128xi32, #tpu.memory_space<vmem>>, vector<16xi32>,
        %swap3A_374 = vector.shape_cast %swap3A_373 : vector<16xi32> to vector<16xi32>
        %swap3A_375 = vector.shape_cast %add3A_371 : vector<16xi32> to vector<16xi32>
        tpu.vector_store %arg18[%swap3A_372], %swap3A_375 {strides = array<i32>} : memref<128xi32, #tpu.memory_space<vmem>>, vector<16xi32>,
        %get3A_376 = arith.constant 80 : index
        %get3A_377 = tpu.vector_load %arg14[%get3A_376] {strides = array<i32>} : memref<128xi32, #tpu.memory_space<vmem>>, vector<16xi32>,
        %get3A_378 = vector.shape_cast %get3A_377 : vector<16xi32> to vector<16xi32>
        %mul3A_379 = arith.constant 512 : i32
        %mul3A_380 = vector.broadcast %mul3A_379 : i32 to vector<16xi32>
        %mul3A_381 = arith.muli %get3A_378, %mul3A_380 : vector<16xi32>
        %add3A_382 = arith.constant 336 : i32
        %add3A_383 = vector.broadcast %add3A_382 : i32 to vector<16xi32>
        %add3A_384 = arith.addi %iota3A, %add3A_383 : vector<16xi32>
        %add3A_385 = arith.addi %mul3A_381, %add3A_384 : vector<16xi32>
        %swap3A_386 = arith.constant 80 : index
        %swap3A_387 = tpu.vector_load %arg18[%swap3A_386] {strides = array<i32>} : memref<128xi32, #tpu.memory_space<vmem>>, vector<16xi32>,
        %swap3A_388 = vector.shape_cast %swap3A_387 : vector<16xi32> to vector<16xi32>
        %swap3A_389 = vector.shape_cast %add3A_385 : vector<16xi32> to vector<16xi32>
        tpu.vector_store %arg18[%swap3A_386], %swap3A_389 {strides = array<i32>} : memref<128xi32, #tpu.memory_space<vmem>>, vector<16xi32>,
        %get3A_390 = arith.constant 96 : index
        %get3A_391 = tpu.vector_load %arg14[%get3A_390] {strides = array<i32>} : memref<128xi32, #tpu.memory_space<vmem>>, vector<16xi32>,
        %get3A_392 = vector.shape_cast %get3A_391 : vector<16xi32> to vector<16xi32>
        %mul3A_393 = arith.constant 512 : i32
        %mul3A_394 = vector.broadcast %mul3A_393 : i32 to vector<16xi32>
        %mul3A_395 = arith.muli %get3A_392, %mul3A_394 : vector<16xi32>
        %add3A_396 = arith.constant 352 : i32
        %add3A_397 = vector.broadcast %add3A_396 : i32 to vector<16xi32>
        %add3A_398 = arith.addi %iota3A, %add3A_397 : vector<16xi32>
        %add3A_399 = arith.addi %mul3A_395, %add3A_398 : vector<16xi32>
        %swap3A_400 = arith.constant 96 : index
        %swap3A_401 = tpu.vector_load %arg18[%swap3A_400] {strides = array<i32>} : memref<128xi32, #tpu.memory_space<vmem>>, vector<16xi32>,
        %swap3A_402 = vector.shape_cast %swap3A_401 : vector<16xi32> to vector<16xi32>
        %swap3A_403 = vector.shape_cast %add3A_399 : vector<16xi32> to vector<16xi32>
        tpu.vector_store %arg18[%swap3A_400], %swap3A_403 {strides = array<i32>} : memref<128xi32, #tpu.memory_space<vmem>>, vector<16xi32>,
        %get3A_404 = arith.constant 112 : index
        %get3A_405 = tpu.vector_load %arg14[%get3A_404] {strides = array<i32>} : memref<128xi32, #tpu.memory_space<vmem>>, vector<16xi32>,
        %get3A_406 = vector.shape_cast %get3A_405 : vector<16xi32> to vector<16xi32>
        %mul3A_407 = arith.constant 512 : i32
        %mul3A_408 = vector.broadcast %mul3A_407 : i32 to vector<16xi32>
        %mul3A_409 = arith.muli %get3A_406, %mul3A_408 : vector<16xi32>
        %add3A_410 = arith.constant 368 : i32
        %add3A_411 = vector.broadcast %add3A_410 : i32 to vector<16xi32>
        %add3A_412 = arith.addi %iota3A, %add3A_411 : vector<16xi32>
        %add3A_413 = arith.addi %mul3A_409, %add3A_412 : vector<16xi32>
        %swap3A_414 = arith.constant 112 : index
        %swap3A_415 = tpu.vector_load %arg18[%swap3A_414] {strides = array<i32>} : memref<128xi32, #tpu.memory_space<vmem>>, vector<16xi32>,
        %swap3A_416 = vector.shape_cast %swap3A_415 : vector<16xi32> to vector<16xi32>
        %swap3A_417 = vector.shape_cast %add3A_413 : vector<16xi32> to vector<16xi32>
        tpu.vector_store %arg18[%swap3A_414], %swap3A_417 {strides = array<i32>} : memref<128xi32, #tpu.memory_space<vmem>>, vector<16xi32>,
        %dma_start3A_418 = arith.constant 0 : i32
        %dma_start3A_419 = arith.constant 0 : i32
        %dma_start3A_420 = tpu.memref_slice %arg7[%dma_start3A_418, %dma_start3A_419] : memref<1536x128xf32, #tpu.memory_space<vmem_shared>> -> memref<1536x128xf32, #tpu.memory_space<vmem_shared>>
        tpu.enqueue_indirect_dma source(%dma_start3A_420 : memref<1536x128xf32, #tpu.memory_space<vmem_shared>>) target(%arg22 : memref<128x128xf32, #tpu.memory_space<vmem>>) offsets(%arg18 : memref<128xi32, #tpu.memory_space<vmem>>) semaphore(%arg30 : memref<!tpu.dma_semaphore, #tpu.memory_space<semaphore_mem>>)
      } else {
      }
      %ge3A_228 = arith.constant 1 : i32
      %ge3A_229 = arith.cmpi sge, %add3A_207, %ge3A_228 : i32
      %convert_element_type3A_230 = arith.extui %ge3A_229 : i1 to i32
      %cond3A_231 = arith.constant 0 : i32
      %cond3A_232 = arith.cmpi ne, %convert_element_type3A_230, %cond3A_231 : i32
      scf.if %cond3A_232 {
        %dma_wait3A_291 = arith.constant 0 : i32
        %dma_wait3A_292 = arith.constant 0 : i32
        %dma_wait3A_293 = tpu.memref_slice %arg4[%dma_wait3A_291, %dma_wait3A_292] : memref<100000x128xf32, #tpu.memory_space<hbm>> -> memref<100000x128xf32, #tpu.memory_space<hbm>>
        tpu.wait_indirect_dma semaphore(%arg32 : memref<!tpu.dma_semaphore, #tpu.memory_space<semaphore_mem>>) src(%dma_wait3A_293 : memref<100000x128xf32, #tpu.memory_space<hbm>>) dst(%arg20 : memref<128x128xf32, #tpu.memory_space<vmem>>)
        %sub3A = arith.constant 1 : i32
        %sub3A_294 = arith.subi %add3A_207, %sub3A : i32
        %mul3A_295 = arith.constant 128 : i32
        %mul3A_296 = arith.muli %sub3A_294, %mul3A_295 : i32
        %add3A_297 = arith.addi %mul3A_4, %mul3A_296 : i32
        %dma_start3A_298 = arith.constant 0 : i32
        %dma_start3A_299 = tpu.memref_slice %arg6[%add3A_297, %dma_start3A_298] : memref<524288x128xf32, #tpu.memory_space<hbm>> -> memref<128x128xf32, #tpu.memory_space<hbm>>
        %dma_start3A_300 = arith.constant 0 : i32
        %dma_start3A_301 = tpu.memref_slice %arg6[%add3A_297, %dma_start3A_300] : memref<524288x128xf32, #tpu.memory_space<hbm>> -> memref<128x128xf32, #tpu.memory_space<hbm>>
        tpu.enqueue_dma source(%arg20 : memref<128x128xf32, #tpu.memory_space<vmem>>) target(%dma_start3A_301 : memref<128x128xf32, #tpu.memory_space<hbm>>) target_semaphore(%arg36 : memref<!tpu.dma_semaphore, #tpu.memory_space<semaphore_mem>>)
      } else {
      }
      %mul3A_233 = arith.constant 4 : i32
      %mul3A_234 = arith.muli %scan3A_178, %mul3A_233 : i32
      %add3A_235 = arith.constant 2 : i32
      %add3A_236 = arith.addi %mul3A_234, %add3A_235 : i32
      %dma_wait3A_237 = arith.constant 0 : i32
      %dma_wait3A_238 = arith.constant 0 : i32
      %dma_wait3A_239 = tpu.memref_slice %arg7[%dma_wait3A_237, %dma_wait3A_238] : memref<1536x128xf32, #tpu.memory_space<vmem_shared>> -> memref<1536x128xf32, #tpu.memory_space<vmem_shared>>
      tpu.wait_indirect_dma semaphore(%arg30 : memref<!tpu.dma_semaphore, #tpu.memory_space<semaphore_mem>>) src(%dma_wait3A_239 : memref<1536x128xf32, #tpu.memory_space<vmem_shared>>) dst(%arg22 : memref<128x128xf32, #tpu.memory_space<vmem>>)
      %dma_start3A_240 = arith.constant 0 : i32
      %dma_start3A_241 = arith.constant 0 : i32
      %dma_start3A_242 = tpu.memref_slice %arg4[%dma_start3A_240, %dma_start3A_241] : memref<100000x128xf32, #tpu.memory_space<hbm>> -> memref<100000x128xf32, #tpu.memory_space<hbm>>
      tpu.enqueue_indirect_dma source(%dma_start3A_242 : memref<100000x128xf32, #tpu.memory_space<hbm>>) target(%arg22 : memref<128x128xf32, #tpu.memory_space<vmem>>) offsets(%arg10 : memref<128xi32, #tpu.memory_space<vmem>>) semaphore(%arg34 : memref<!tpu.dma_semaphore, #tpu.memory_space<semaphore_mem>>) {add = true}
      %add3A_243 = arith.constant 2 : i32
      %add3A_244 = arith.addi %add3A_236, %add3A_243 : i32
      %lt3A_245 = arith.constant 128 : i32
      %lt3A_246 = arith.cmpi slt, %add3A_244, %lt3A_245 : i32
      %convert_element_type3A_247 = arith.extui %lt3A_246 : i1 to i32
      %cond3A_248 = arith.constant 0 : i32
      %cond3A_249 = arith.cmpi ne, %convert_element_type3A_247, %cond3A_248 : i32
      scf.if %cond3A_249 {
        %add3A_291 = arith.constant 2 : i32
        %add3A_292 = arith.addi %add3A_236, %add3A_291 : i32
        %mul3A_293 = arith.constant 128 : i32
        %mul3A_294 = arith.muli %add3A_292, %mul3A_293 : i32
        %add3A_295 = arith.addi %mul3A_4, %mul3A_294 : i32
        %dma_start3A_296 = tpu.memref_slice %arg2[%add3A_295] : memref<524288xi32, #tpu.memory_space<hbm>> -> memref<128xi32, #tpu.memory_space<hbm>>
        %dma_start3A_297 = tpu.memref_slice %arg2[%add3A_295] : memref<524288xi32, #tpu.memory_space<hbm>> -> memref<128xi32, #tpu.memory_space<hbm>>
        tpu.enqueue_dma source(%dma_start3A_297 : memref<128xi32, #tpu.memory_space<hbm>>) target(%arg8 : memref<128xi32, #tpu.memory_space<vmem>>) target_semaphore(%arg24 : memref<!tpu.dma_semaphore, #tpu.memory_space<semaphore_mem>>)
        %dma_start3A_298 = tpu.memref_slice %arg3[%add3A_295] : memref<524288xi32, #tpu.memory_space<hbm>> -> memref<128xi32, #tpu.memory_space<hbm>>
        %dma_start3A_299 = tpu.memref_slice %arg3[%add3A_295] : memref<524288xi32, #tpu.memory_space<hbm>> -> memref<128xi32, #tpu.memory_space<hbm>>
        tpu.enqueue_dma source(%dma_start3A_299 : memref<128xi32, #tpu.memory_space<hbm>>) target(%arg12 : memref<128xi32, #tpu.memory_space<vmem>>) target_semaphore(%arg24 : memref<!tpu.dma_semaphore, #tpu.memory_space<semaphore_mem>>)
      } else {
      }
      %add3A_250 = arith.constant 1 : i32
      %add3A_251 = arith.addi %add3A_236, %add3A_250 : i32
      %lt3A_252 = arith.constant 128 : i32
      %lt3A_253 = arith.cmpi slt, %add3A_251, %lt3A_252 : i32
      %convert_element_type3A_254 = arith.extui %lt3A_253 : i1 to i32
      %cond3A_255 = arith.constant 0 : i32
      %cond3A_256 = arith.cmpi ne, %convert_element_type3A_254, %cond3A_255 : i32
      scf.if %cond3A_256 {
        %dma_wait3A_291 = arith.constant 0 : i32
        %dma_wait3A_292 = tpu.memref_slice %arg2[%dma_wait3A_291] : memref<524288xi32, #tpu.memory_space<hbm>> -> memref<128xi32, #tpu.memory_space<hbm>>
        %dma_wait3A_293 = arith.constant 0 : i32
        %dma_wait3A_294 = tpu.memref_slice %arg2[%dma_wait3A_293] : memref<524288xi32, #tpu.memory_space<hbm>> -> memref<128xi32, #tpu.memory_space<hbm>>
        tpu.wait_dma2 semaphore(%arg27 : memref<!tpu.dma_semaphore, #tpu.memory_space<semaphore_mem>>) src(%dma_wait3A_294 : memref<128xi32, #tpu.memory_space<hbm>>) dst(%arg11 : memref<128xi32, #tpu.memory_space<vmem>>)
        %dma_wait3A_295 = arith.constant 0 : i32
        %dma_wait3A_296 = tpu.memref_slice %arg2[%dma_wait3A_295] : memref<524288xi32, #tpu.memory_space<hbm>> -> memref<128xi32, #tpu.memory_space<hbm>>
        %dma_wait3A_297 = arith.constant 0 : i32
        %dma_wait3A_298 = tpu.memref_slice %arg2[%dma_wait3A_297] : memref<524288xi32, #tpu.memory_space<hbm>> -> memref<128xi32, #tpu.memory_space<hbm>>
        tpu.wait_dma2 semaphore(%arg27 : memref<!tpu.dma_semaphore, #tpu.memory_space<semaphore_mem>>) src(%dma_wait3A_298 : memref<128xi32, #tpu.memory_space<hbm>>) dst(%arg15 : memref<128xi32, #tpu.memory_space<vmem>>)
        %ge3A_299 = arith.constant 3 : i32
        %ge3A_300 = arith.cmpi sge, %add3A_236, %ge3A_299 : i32
        %convert_element_type3A_301 = arith.extui %ge3A_300 : i1 to i32
        %cond3A_302 = arith.constant 0 : i32
        %cond3A_303 = arith.cmpi ne, %convert_element_type3A_301, %cond3A_302 : i32
        scf.if %cond3A_303 {
          %dma_wait3A_421 = arith.constant 0 : i32
          %dma_wait3A_422 = arith.constant 0 : i32
          %dma_wait3A_423 = tpu.memref_slice %arg6[%dma_wait3A_421, %dma_wait3A_422] : memref<524288x128xf32, #tpu.memory_space<hbm>> -> memref<128x128xf32, #tpu.memory_space<hbm>>
          %dma_wait3A_424 = arith.constant 0 : i32
          %dma_wait3A_425 = arith.constant 0 : i32
          %dma_wait3A_426 = tpu.memref_slice %arg6[%dma_wait3A_424, %dma_wait3A_425] : memref<524288x128xf32, #tpu.memory_space<hbm>> -> memref<128x128xf32, #tpu.memory_space<hbm>>
          tpu.wait_dma2 semaphore(%arg39 : memref<!tpu.dma_semaphore, #tpu.memory_space<semaphore_mem>>) src(%arg23 : memref<128x128xf32, #tpu.memory_space<vmem>>) dst(%dma_wait3A_426 : memref<128x128xf32, #tpu.memory_space<hbm>>)
        } else {
        }
        %add3A_304 = arith.constant 1 : i32
        %add3A_305 = arith.addi %add3A_236, %add3A_304 : i32
        %get3A_306 = arith.constant 0 : index
        %get3A_307 = tpu.vector_load %arg15[%get3A_306] {strides = array<i32>} : memref<128xi32, #tpu.memory_space<vmem>>, vector<16xi32>,
        %get3A_308 = vector.shape_cast %get3A_307 : vector<16xi32> to vector<16xi32>
        %mul3A_309 = arith.constant 512 : i32
        %mul3A_310 = vector.broadcast %mul3A_309 : i32 to vector<16xi32>
        %mul3A_311 = arith.muli %get3A_308, %mul3A_310 : vector<16xi32>
        %add3A_312 = arith.constant 384 : i32
        %add3A_313 = vector.broadcast %add3A_312 : i32 to vector<16xi32>
        %add3A_314 = arith.addi %iota3A, %add3A_313 : vector<16xi32>
        %add3A_315 = arith.addi %mul3A_311, %add3A_314 : vector<16xi32>
        %swap3A_316 = arith.constant 0 : index
        %swap3A_317 = tpu.vector_load %arg19[%swap3A_316] {strides = array<i32>} : memref<128xi32, #tpu.memory_space<vmem>>, vector<16xi32>,
        %swap3A_318 = vector.shape_cast %swap3A_317 : vector<16xi32> to vector<16xi32>
        %swap3A_319 = vector.shape_cast %add3A_315 : vector<16xi32> to vector<16xi32>
        tpu.vector_store %arg19[%swap3A_316], %swap3A_319 {strides = array<i32>} : memref<128xi32, #tpu.memory_space<vmem>>, vector<16xi32>,
        %get3A_320 = arith.constant 16 : index
        %get3A_321 = tpu.vector_load %arg15[%get3A_320] {strides = array<i32>} : memref<128xi32, #tpu.memory_space<vmem>>, vector<16xi32>,
        %get3A_322 = vector.shape_cast %get3A_321 : vector<16xi32> to vector<16xi32>
        %mul3A_323 = arith.constant 512 : i32
        %mul3A_324 = vector.broadcast %mul3A_323 : i32 to vector<16xi32>
        %mul3A_325 = arith.muli %get3A_322, %mul3A_324 : vector<16xi32>
        %add3A_326 = arith.constant 400 : i32
        %add3A_327 = vector.broadcast %add3A_326 : i32 to vector<16xi32>
        %add3A_328 = arith.addi %iota3A, %add3A_327 : vector<16xi32>
        %add3A_329 = arith.addi %mul3A_325, %add3A_328 : vector<16xi32>
        %swap3A_330 = arith.constant 16 : index
        %swap3A_331 = tpu.vector_load %arg19[%swap3A_330] {strides = array<i32>} : memref<128xi32, #tpu.memory_space<vmem>>, vector<16xi32>,
        %swap3A_332 = vector.shape_cast %swap3A_331 : vector<16xi32> to vector<16xi32>
        %swap3A_333 = vector.shape_cast %add3A_329 : vector<16xi32> to vector<16xi32>
        tpu.vector_store %arg19[%swap3A_330], %swap3A_333 {strides = array<i32>} : memref<128xi32, #tpu.memory_space<vmem>>, vector<16xi32>,
        %get3A_334 = arith.constant 32 : index
        %get3A_335 = tpu.vector_load %arg15[%get3A_334] {strides = array<i32>} : memref<128xi32, #tpu.memory_space<vmem>>, vector<16xi32>,
        %get3A_336 = vector.shape_cast %get3A_335 : vector<16xi32> to vector<16xi32>
        %mul3A_337 = arith.constant 512 : i32
        %mul3A_338 = vector.broadcast %mul3A_337 : i32 to vector<16xi32>
        %mul3A_339 = arith.muli %get3A_336, %mul3A_338 : vector<16xi32>
        %add3A_340 = arith.constant 416 : i32
        %add3A_341 = vector.broadcast %add3A_340 : i32 to vector<16xi32>
        %add3A_342 = arith.addi %iota3A, %add3A_341 : vector<16xi32>
        %add3A_343 = arith.addi %mul3A_339, %add3A_342 : vector<16xi32>
        %swap3A_344 = arith.constant 32 : index
        %swap3A_345 = tpu.vector_load %arg19[%swap3A_344] {strides = array<i32>} : memref<128xi32, #tpu.memory_space<vmem>>, vector<16xi32>,
        %swap3A_346 = vector.shape_cast %swap3A_345 : vector<16xi32> to vector<16xi32>
        %swap3A_347 = vector.shape_cast %add3A_343 : vector<16xi32> to vector<16xi32>
        tpu.vector_store %arg19[%swap3A_344], %swap3A_347 {strides = array<i32>} : memref<128xi32, #tpu.memory_space<vmem>>, vector<16xi32>,
        %get3A_348 = arith.constant 48 : index
        %get3A_349 = tpu.vector_load %arg15[%get3A_348] {strides = array<i32>} : memref<128xi32, #tpu.memory_space<vmem>>, vector<16xi32>,
        %get3A_350 = vector.shape_cast %get3A_349 : vector<16xi32> to vector<16xi32>
        %mul3A_351 = arith.constant 512 : i32
        %mul3A_352 = vector.broadcast %mul3A_351 : i32 to vector<16xi32>
        %mul3A_353 = arith.muli %get3A_350, %mul3A_352 : vector<16xi32>
        %add3A_354 = arith.constant 432 : i32
        %add3A_355 = vector.broadcast %add3A_354 : i32 to vector<16xi32>
        %add3A_356 = arith.addi %iota3A, %add3A_355 : vector<16xi32>
        %add3A_357 = arith.addi %mul3A_353, %add3A_356 : vector<16xi32>
        %swap3A_358 = arith.constant 48 : index
        %swap3A_359 = tpu.vector_load %arg19[%swap3A_358] {strides = array<i32>} : memref<128xi32, #tpu.memory_space<vmem>>, vector<16xi32>,
        %swap3A_360 = vector.shape_cast %swap3A_359 : vector<16xi32> to vector<16xi32>
        %swap3A_361 = vector.shape_cast %add3A_357 : vector<16xi32> to vector<16xi32>
        tpu.vector_store %arg19[%swap3A_358], %swap3A_361 {strides = array<i32>} : memref<128xi32, #tpu.memory_space<vmem>>, vector<16xi32>,
        %get3A_362 = arith.constant 64 : index
        %get3A_363 = tpu.vector_load %arg15[%get3A_362] {strides = array<i32>} : memref<128xi32, #tpu.memory_space<vmem>>, vector<16xi32>,
        %get3A_364 = vector.shape_cast %get3A_363 : vector<16xi32> to vector<16xi32>
        %mul3A_365 = arith.constant 512 : i32
        %mul3A_366 = vector.broadcast %mul3A_365 : i32 to vector<16xi32>
        %mul3A_367 = arith.muli %get3A_364, %mul3A_366 : vector<16xi32>
        %add3A_368 = arith.constant 448 : i32
        %add3A_369 = vector.broadcast %add3A_368 : i32 to vector<16xi32>
        %add3A_370 = arith.addi %iota3A, %add3A_369 : vector<16xi32>
        %add3A_371 = arith.addi %mul3A_367, %add3A_370 : vector<16xi32>
        %swap3A_372 = arith.constant 64 : index
        %swap3A_373 = tpu.vector_load %arg19[%swap3A_372] {strides = array<i32>} : memref<128xi32, #tpu.memory_space<vmem>>, vector<16xi32>,
        %swap3A_374 = vector.shape_cast %swap3A_373 : vector<16xi32> to vector<16xi32>
        %swap3A_375 = vector.shape_cast %add3A_371 : vector<16xi32> to vector<16xi32>
        tpu.vector_store %arg19[%swap3A_372], %swap3A_375 {strides = array<i32>} : memref<128xi32, #tpu.memory_space<vmem>>, vector<16xi32>,
        %get3A_376 = arith.constant 80 : index
        %get3A_377 = tpu.vector_load %arg15[%get3A_376] {strides = array<i32>} : memref<128xi32, #tpu.memory_space<vmem>>, vector<16xi32>,
        %get3A_378 = vector.shape_cast %get3A_377 : vector<16xi32> to vector<16xi32>
        %mul3A_379 = arith.constant 512 : i32
        %mul3A_380 = vector.broadcast %mul3A_379 : i32 to vector<16xi32>
        %mul3A_381 = arith.muli %get3A_378, %mul3A_380 : vector<16xi32>
        %add3A_382 = arith.constant 464 : i32
        %add3A_383 = vector.broadcast %add3A_382 : i32 to vector<16xi32>
        %add3A_384 = arith.addi %iota3A, %add3A_383 : vector<16xi32>
        %add3A_385 = arith.addi %mul3A_381, %add3A_384 : vector<16xi32>
        %swap3A_386 = arith.constant 80 : index
        %swap3A_387 = tpu.vector_load %arg19[%swap3A_386] {strides = array<i32>} : memref<128xi32, #tpu.memory_space<vmem>>, vector<16xi32>,
        %swap3A_388 = vector.shape_cast %swap3A_387 : vector<16xi32> to vector<16xi32>
        %swap3A_389 = vector.shape_cast %add3A_385 : vector<16xi32> to vector<16xi32>
        tpu.vector_store %arg19[%swap3A_386], %swap3A_389 {strides = array<i32>} : memref<128xi32, #tpu.memory_space<vmem>>, vector<16xi32>,
        %get3A_390 = arith.constant 96 : index
        %get3A_391 = tpu.vector_load %arg15[%get3A_390] {strides = array<i32>} : memref<128xi32, #tpu.memory_space<vmem>>, vector<16xi32>,
        %get3A_392 = vector.shape_cast %get3A_391 : vector<16xi32> to vector<16xi32>
        %mul3A_393 = arith.constant 512 : i32
        %mul3A_394 = vector.broadcast %mul3A_393 : i32 to vector<16xi32>
        %mul3A_395 = arith.muli %get3A_392, %mul3A_394 : vector<16xi32>
        %add3A_396 = arith.constant 480 : i32
        %add3A_397 = vector.broadcast %add3A_396 : i32 to vector<16xi32>
        %add3A_398 = arith.addi %iota3A, %add3A_397 : vector<16xi32>
        %add3A_399 = arith.addi %mul3A_395, %add3A_398 : vector<16xi32>
        %swap3A_400 = arith.constant 96 : index
        %swap3A_401 = tpu.vector_load %arg19[%swap3A_400] {strides = array<i32>} : memref<128xi32, #tpu.memory_space<vmem>>, vector<16xi32>,
        %swap3A_402 = vector.shape_cast %swap3A_401 : vector<16xi32> to vector<16xi32>
        %swap3A_403 = vector.shape_cast %add3A_399 : vector<16xi32> to vector<16xi32>
        tpu.vector_store %arg19[%swap3A_400], %swap3A_403 {strides = array<i32>} : memref<128xi32, #tpu.memory_space<vmem>>, vector<16xi32>,
        %get3A_404 = arith.constant 112 : index
        %get3A_405 = tpu.vector_load %arg15[%get3A_404] {strides = array<i32>} : memref<128xi32, #tpu.memory_space<vmem>>, vector<16xi32>,
        %get3A_406 = vector.shape_cast %get3A_405 : vector<16xi32> to vector<16xi32>
        %mul3A_407 = arith.constant 512 : i32
        %mul3A_408 = vector.broadcast %mul3A_407 : i32 to vector<16xi32>
        %mul3A_409 = arith.muli %get3A_406, %mul3A_408 : vector<16xi32>
        %add3A_410 = arith.constant 496 : i32
        %add3A_411 = vector.broadcast %add3A_410 : i32 to vector<16xi32>
        %add3A_412 = arith.addi %iota3A, %add3A_411 : vector<16xi32>
        %add3A_413 = arith.addi %mul3A_409, %add3A_412 : vector<16xi32>
        %swap3A_414 = arith.constant 112 : index
        %swap3A_415 = tpu.vector_load %arg19[%swap3A_414] {strides = array<i32>} : memref<128xi32, #tpu.memory_space<vmem>>, vector<16xi32>,
        %swap3A_416 = vector.shape_cast %swap3A_415 : vector<16xi32> to vector<16xi32>
        %swap3A_417 = vector.shape_cast %add3A_413 : vector<16xi32> to vector<16xi32>
        tpu.vector_store %arg19[%swap3A_414], %swap3A_417 {strides = array<i32>} : memref<128xi32, #tpu.memory_space<vmem>>, vector<16xi32>,
        %dma_start3A_418 = arith.constant 0 : i32
        %dma_start3A_419 = arith.constant 0 : i32
        %dma_start3A_420 = tpu.memref_slice %arg7[%dma_start3A_418, %dma_start3A_419] : memref<1536x128xf32, #tpu.memory_space<vmem_shared>> -> memref<1536x128xf32, #tpu.memory_space<vmem_shared>>
        tpu.enqueue_indirect_dma source(%dma_start3A_420 : memref<1536x128xf32, #tpu.memory_space<vmem_shared>>) target(%arg23 : memref<128x128xf32, #tpu.memory_space<vmem>>) offsets(%arg19 : memref<128xi32, #tpu.memory_space<vmem>>) semaphore(%arg31 : memref<!tpu.dma_semaphore, #tpu.memory_space<semaphore_mem>>)
      } else {
      }
      %ge3A_257 = arith.constant 1 : i32
      %ge3A_258 = arith.cmpi sge, %add3A_236, %ge3A_257 : i32
      %convert_element_type3A_259 = arith.extui %ge3A_258 : i1 to i32
      %cond3A_260 = arith.constant 0 : i32
      %cond3A_261 = arith.cmpi ne, %convert_element_type3A_259, %cond3A_260 : i32
      scf.if %cond3A_261 {
        %dma_wait3A_291 = arith.constant 0 : i32
        %dma_wait3A_292 = arith.constant 0 : i32
        %dma_wait3A_293 = tpu.memref_slice %arg4[%dma_wait3A_291, %dma_wait3A_292] : memref<100000x128xf32, #tpu.memory_space<hbm>> -> memref<100000x128xf32, #tpu.memory_space<hbm>>
        tpu.wait_indirect_dma semaphore(%arg33 : memref<!tpu.dma_semaphore, #tpu.memory_space<semaphore_mem>>) src(%dma_wait3A_293 : memref<100000x128xf32, #tpu.memory_space<hbm>>) dst(%arg21 : memref<128x128xf32, #tpu.memory_space<vmem>>)
        %sub3A = arith.constant 1 : i32
        %sub3A_294 = arith.subi %add3A_236, %sub3A : i32
        %mul3A_295 = arith.constant 128 : i32
        %mul3A_296 = arith.muli %sub3A_294, %mul3A_295 : i32
        %add3A_297 = arith.addi %mul3A_4, %mul3A_296 : i32
        %dma_start3A_298 = arith.constant 0 : i32
        %dma_start3A_299 = tpu.memref_slice %arg6[%add3A_297, %dma_start3A_298] : memref<524288x128xf32, #tpu.memory_space<hbm>> -> memref<128x128xf32, #tpu.memory_space<hbm>>
        %dma_start3A_300 = arith.constant 0 : i32
        %dma_start3A_301 = tpu.memref_slice %arg6[%add3A_297, %dma_start3A_300] : memref<524288x128xf32, #tpu.memory_space<hbm>> -> memref<128x128xf32, #tpu.memory_space<hbm>>
        tpu.enqueue_dma source(%arg21 : memref<128x128xf32, #tpu.memory_space<vmem>>) target(%dma_start3A_301 : memref<128x128xf32, #tpu.memory_space<hbm>>) target_semaphore(%arg37 : memref<!tpu.dma_semaphore, #tpu.memory_space<semaphore_mem>>)
      } else {
      }
      %mul3A_262 = arith.constant 4 : i32
      %mul3A_263 = arith.muli %scan3A_178, %mul3A_262 : i32
      %add3A_264 = arith.constant 3 : i32
      %add3A_265 = arith.addi %mul3A_263, %add3A_264 : i32
      %dma_wait3A_266 = arith.constant 0 : i32
      %dma_wait3A_267 = arith.constant 0 : i32
      %dma_wait3A_268 = tpu.memref_slice %arg7[%dma_wait3A_266, %dma_wait3A_267] : memref<1536x128xf32, #tpu.memory_space<vmem_shared>> -> memref<1536x128xf32, #tpu.memory_space<vmem_shared>>
      tpu.wait_indirect_dma semaphore(%arg31 : memref<!tpu.dma_semaphore, #tpu.memory_space<semaphore_mem>>) src(%dma_wait3A_268 : memref<1536x128xf32, #tpu.memory_space<vmem_shared>>) dst(%arg23 : memref<128x128xf32, #tpu.memory_space<vmem>>)
      %dma_start3A_269 = arith.constant 0 : i32
      %dma_start3A_270 = arith.constant 0 : i32
      %dma_start3A_271 = tpu.memref_slice %arg4[%dma_start3A_269, %dma_start3A_270] : memref<100000x128xf32, #tpu.memory_space<hbm>> -> memref<100000x128xf32, #tpu.memory_space<hbm>>
      tpu.enqueue_indirect_dma source(%dma_start3A_271 : memref<100000x128xf32, #tpu.memory_space<hbm>>) target(%arg23 : memref<128x128xf32, #tpu.memory_space<vmem>>) offsets(%arg11 : memref<128xi32, #tpu.memory_space<vmem>>) semaphore(%arg35 : memref<!tpu.dma_semaphore, #tpu.memory_space<semaphore_mem>>) {add = true}
      %add3A_272 = arith.constant 2 : i32
      %add3A_273 = arith.addi %add3A_265, %add3A_272 : i32
      %lt3A_274 = arith.constant 128 : i32
      %lt3A_275 = arith.cmpi slt, %add3A_273, %lt3A_274 : i32
      %convert_element_type3A_276 = arith.extui %lt3A_275 : i1 to i32
      %cond3A_277 = arith.constant 0 : i32
      %cond3A_278 = arith.cmpi ne, %convert_element_type3A_276, %cond3A_277 : i32
      scf.if %cond3A_278 {
        %add3A_291 = arith.constant 2 : i32
        %add3A_292 = arith.addi %add3A_265, %add3A_291 : i32
        %mul3A_293 = arith.constant 128 : i32
        %mul3A_294 = arith.muli %add3A_292, %mul3A_293 : i32
        %add3A_295 = arith.addi %mul3A_4, %mul3A_294 : i32
        %dma_start3A_296 = tpu.memref_slice %arg2[%add3A_295] : memref<524288xi32, #tpu.memory_space<hbm>> -> memref<128xi32, #tpu.memory_space<hbm>>
        %dma_start3A_297 = tpu.memref_slice %arg2[%add3A_295] : memref<524288xi32, #tpu.memory_space<hbm>> -> memref<128xi32, #tpu.memory_space<hbm>>
        tpu.enqueue_dma source(%dma_start3A_297 : memref<128xi32, #tpu.memory_space<hbm>>) target(%arg9 : memref<128xi32, #tpu.memory_space<vmem>>) target_semaphore(%arg25 : memref<!tpu.dma_semaphore, #tpu.memory_space<semaphore_mem>>)
        %dma_start3A_298 = tpu.memref_slice %arg3[%add3A_295] : memref<524288xi32, #tpu.memory_space<hbm>> -> memref<128xi32, #tpu.memory_space<hbm>>
        %dma_start3A_299 = tpu.memref_slice %arg3[%add3A_295] : memref<524288xi32, #tpu.memory_space<hbm>> -> memref<128xi32, #tpu.memory_space<hbm>>
        tpu.enqueue_dma source(%dma_start3A_299 : memref<128xi32, #tpu.memory_space<hbm>>) target(%arg13 : memref<128xi32, #tpu.memory_space<vmem>>) target_semaphore(%arg25 : memref<!tpu.dma_semaphore, #tpu.memory_space<semaphore_mem>>)
      } else {
      }
      %add3A_279 = arith.constant 1 : i32
      %add3A_280 = arith.addi %add3A_265, %add3A_279 : i32
      %lt3A_281 = arith.constant 128 : i32
      %lt3A_282 = arith.cmpi slt, %add3A_280, %lt3A_281 : i32
      %convert_element_type3A_283 = arith.extui %lt3A_282 : i1 to i32
      %cond3A_284 = arith.constant 0 : i32
      %cond3A_285 = arith.cmpi ne, %convert_element_type3A_283, %cond3A_284 : i32
      scf.if %cond3A_285 {
        %dma_wait3A_291 = arith.constant 0 : i32
        %dma_wait3A_292 = tpu.memref_slice %arg2[%dma_wait3A_291] : memref<524288xi32, #tpu.memory_space<hbm>> -> memref<128xi32, #tpu.memory_space<hbm>>
        %dma_wait3A_293 = arith.constant 0 : i32
        %dma_wait3A_294 = tpu.memref_slice %arg2[%dma_wait3A_293] : memref<524288xi32, #tpu.memory_space<hbm>> -> memref<128xi32, #tpu.memory_space<hbm>>
        tpu.wait_dma2 semaphore(%arg24 : memref<!tpu.dma_semaphore, #tpu.memory_space<semaphore_mem>>) src(%dma_wait3A_294 : memref<128xi32, #tpu.memory_space<hbm>>) dst(%arg8 : memref<128xi32, #tpu.memory_space<vmem>>)
        %dma_wait3A_295 = arith.constant 0 : i32
        %dma_wait3A_296 = tpu.memref_slice %arg2[%dma_wait3A_295] : memref<524288xi32, #tpu.memory_space<hbm>> -> memref<128xi32, #tpu.memory_space<hbm>>
        %dma_wait3A_297 = arith.constant 0 : i32
        %dma_wait3A_298 = tpu.memref_slice %arg2[%dma_wait3A_297] : memref<524288xi32, #tpu.memory_space<hbm>> -> memref<128xi32, #tpu.memory_space<hbm>>
        tpu.wait_dma2 semaphore(%arg24 : memref<!tpu.dma_semaphore, #tpu.memory_space<semaphore_mem>>) src(%dma_wait3A_298 : memref<128xi32, #tpu.memory_space<hbm>>) dst(%arg12 : memref<128xi32, #tpu.memory_space<vmem>>)
        %ge3A_299 = arith.constant 3 : i32
        %ge3A_300 = arith.cmpi sge, %add3A_265, %ge3A_299 : i32
        %convert_element_type3A_301 = arith.extui %ge3A_300 : i1 to i32
        %cond3A_302 = arith.constant 0 : i32
        %cond3A_303 = arith.cmpi ne, %convert_element_type3A_301, %cond3A_302 : i32
        scf.if %cond3A_303 {
          %dma_wait3A_421 = arith.constant 0 : i32
          %dma_wait3A_422 = arith.constant 0 : i32
          %dma_wait3A_423 = tpu.memref_slice %arg6[%dma_wait3A_421, %dma_wait3A_422] : memref<524288x128xf32, #tpu.memory_space<hbm>> -> memref<128x128xf32, #tpu.memory_space<hbm>>
          %dma_wait3A_424 = arith.constant 0 : i32
          %dma_wait3A_425 = arith.constant 0 : i32
          %dma_wait3A_426 = tpu.memref_slice %arg6[%dma_wait3A_424, %dma_wait3A_425] : memref<524288x128xf32, #tpu.memory_space<hbm>> -> memref<128x128xf32, #tpu.memory_space<hbm>>
          tpu.wait_dma2 semaphore(%arg36 : memref<!tpu.dma_semaphore, #tpu.memory_space<semaphore_mem>>) src(%arg20 : memref<128x128xf32, #tpu.memory_space<vmem>>) dst(%dma_wait3A_426 : memref<128x128xf32, #tpu.memory_space<hbm>>)
        } else {
        }
        %add3A_304 = arith.constant 1 : i32
        %add3A_305 = arith.addi %add3A_265, %add3A_304 : i32
        %get3A_306 = arith.constant 0 : index
        %get3A_307 = tpu.vector_load %arg12[%get3A_306] {strides = array<i32>} : memref<128xi32, #tpu.memory_space<vmem>>, vector<16xi32>,
        %get3A_308 = vector.shape_cast %get3A_307 : vector<16xi32> to vector<16xi32>
        %mul3A_309 = arith.constant 512 : i32
        %mul3A_310 = vector.broadcast %mul3A_309 : i32 to vector<16xi32>
        %mul3A_311 = arith.muli %get3A_308, %mul3A_310 : vector<16xi32>
        %add3A_312 = arith.constant 0 : i32
        %add3A_313 = vector.broadcast %add3A_312 : i32 to vector<16xi32>
        %add3A_314 = arith.addi %iota3A, %add3A_313 : vector<16xi32>
        %add3A_315 = arith.addi %mul3A_311, %add3A_314 : vector<16xi32>
        %swap3A_316 = arith.constant 0 : index
        %swap3A_317 = tpu.vector_load %arg16[%swap3A_316] {strides = array<i32>} : memref<128xi32, #tpu.memory_space<vmem>>, vector<16xi32>,
        %swap3A_318 = vector.shape_cast %swap3A_317 : vector<16xi32> to vector<16xi32>
        %swap3A_319 = vector.shape_cast %add3A_315 : vector<16xi32> to vector<16xi32>
        tpu.vector_store %arg16[%swap3A_316], %swap3A_319 {strides = array<i32>} : memref<128xi32, #tpu.memory_space<vmem>>, vector<16xi32>,
        %get3A_320 = arith.constant 16 : index
        %get3A_321 = tpu.vector_load %arg12[%get3A_320] {strides = array<i32>} : memref<128xi32, #tpu.memory_space<vmem>>, vector<16xi32>,
        %get3A_322 = vector.shape_cast %get3A_321 : vector<16xi32> to vector<16xi32>
        %mul3A_323 = arith.constant 512 : i32
        %mul3A_324 = vector.broadcast %mul3A_323 : i32 to vector<16xi32>
        %mul3A_325 = arith.muli %get3A_322, %mul3A_324 : vector<16xi32>
        %add3A_326 = arith.constant 16 : i32
        %add3A_327 = vector.broadcast %add3A_326 : i32 to vector<16xi32>
        %add3A_328 = arith.addi %iota3A, %add3A_327 : vector<16xi32>
        %add3A_329 = arith.addi %mul3A_325, %add3A_328 : vector<16xi32>
        %swap3A_330 = arith.constant 16 : index
        %swap3A_331 = tpu.vector_load %arg16[%swap3A_330] {strides = array<i32>} : memref<128xi32, #tpu.memory_space<vmem>>, vector<16xi32>,
        %swap3A_332 = vector.shape_cast %swap3A_331 : vector<16xi32> to vector<16xi32>
        %swap3A_333 = vector.shape_cast %add3A_329 : vector<16xi32> to vector<16xi32>
        tpu.vector_store %arg16[%swap3A_330], %swap3A_333 {strides = array<i32>} : memref<128xi32, #tpu.memory_space<vmem>>, vector<16xi32>,
        %get3A_334 = arith.constant 32 : index
        %get3A_335 = tpu.vector_load %arg12[%get3A_334] {strides = array<i32>} : memref<128xi32, #tpu.memory_space<vmem>>, vector<16xi32>,
        %get3A_336 = vector.shape_cast %get3A_335 : vector<16xi32> to vector<16xi32>
        %mul3A_337 = arith.constant 512 : i32
        %mul3A_338 = vector.broadcast %mul3A_337 : i32 to vector<16xi32>
        %mul3A_339 = arith.muli %get3A_336, %mul3A_338 : vector<16xi32>
        %add3A_340 = arith.constant 32 : i32
        %add3A_341 = vector.broadcast %add3A_340 : i32 to vector<16xi32>
        %add3A_342 = arith.addi %iota3A, %add3A_341 : vector<16xi32>
        %add3A_343 = arith.addi %mul3A_339, %add3A_342 : vector<16xi32>
        %swap3A_344 = arith.constant 32 : index
        %swap3A_345 = tpu.vector_load %arg16[%swap3A_344] {strides = array<i32>} : memref<128xi32, #tpu.memory_space<vmem>>, vector<16xi32>,
        %swap3A_346 = vector.shape_cast %swap3A_345 : vector<16xi32> to vector<16xi32>
        %swap3A_347 = vector.shape_cast %add3A_343 : vector<16xi32> to vector<16xi32>
        tpu.vector_store %arg16[%swap3A_344], %swap3A_347 {strides = array<i32>} : memref<128xi32, #tpu.memory_space<vmem>>, vector<16xi32>,
        %get3A_348 = arith.constant 48 : index
        %get3A_349 = tpu.vector_load %arg12[%get3A_348] {strides = array<i32>} : memref<128xi32, #tpu.memory_space<vmem>>, vector<16xi32>,
        %get3A_350 = vector.shape_cast %get3A_349 : vector<16xi32> to vector<16xi32>
        %mul3A_351 = arith.constant 512 : i32
        %mul3A_352 = vector.broadcast %mul3A_351 : i32 to vector<16xi32>
        %mul3A_353 = arith.muli %get3A_350, %mul3A_352 : vector<16xi32>
        %add3A_354 = arith.constant 48 : i32
        %add3A_355 = vector.broadcast %add3A_354 : i32 to vector<16xi32>
        %add3A_356 = arith.addi %iota3A, %add3A_355 : vector<16xi32>
        %add3A_357 = arith.addi %mul3A_353, %add3A_356 : vector<16xi32>
        %swap3A_358 = arith.constant 48 : index
        %swap3A_359 = tpu.vector_load %arg16[%swap3A_358] {strides = array<i32>} : memref<128xi32, #tpu.memory_space<vmem>>, vector<16xi32>,
        %swap3A_360 = vector.shape_cast %swap3A_359 : vector<16xi32> to vector<16xi32>
        %swap3A_361 = vector.shape_cast %add3A_357 : vector<16xi32> to vector<16xi32>
        tpu.vector_store %arg16[%swap3A_358], %swap3A_361 {strides = array<i32>} : memref<128xi32, #tpu.memory_space<vmem>>, vector<16xi32>,
        %get3A_362 = arith.constant 64 : index
        %get3A_363 = tpu.vector_load %arg12[%get3A_362] {strides = array<i32>} : memref<128xi32, #tpu.memory_space<vmem>>, vector<16xi32>,
        %get3A_364 = vector.shape_cast %get3A_363 : vector<16xi32> to vector<16xi32>
        %mul3A_365 = arith.constant 512 : i32
        %mul3A_366 = vector.broadcast %mul3A_365 : i32 to vector<16xi32>
        %mul3A_367 = arith.muli %get3A_364, %mul3A_366 : vector<16xi32>
        %add3A_368 = arith.constant 64 : i32
        %add3A_369 = vector.broadcast %add3A_368 : i32 to vector<16xi32>
        %add3A_370 = arith.addi %iota3A, %add3A_369 : vector<16xi32>
        %add3A_371 = arith.addi %mul3A_367, %add3A_370 : vector<16xi32>
        %swap3A_372 = arith.constant 64 : index
        %swap3A_373 = tpu.vector_load %arg16[%swap3A_372] {strides = array<i32>} : memref<128xi32, #tpu.memory_space<vmem>>, vector<16xi32>,
        %swap3A_374 = vector.shape_cast %swap3A_373 : vector<16xi32> to vector<16xi32>
        %swap3A_375 = vector.shape_cast %add3A_371 : vector<16xi32> to vector<16xi32>
        tpu.vector_store %arg16[%swap3A_372], %swap3A_375 {strides = array<i32>} : memref<128xi32, #tpu.memory_space<vmem>>, vector<16xi32>,
        %get3A_376 = arith.constant 80 : index
        %get3A_377 = tpu.vector_load %arg12[%get3A_376] {strides = array<i32>} : memref<128xi32, #tpu.memory_space<vmem>>, vector<16xi32>,
        %get3A_378 = vector.shape_cast %get3A_377 : vector<16xi32> to vector<16xi32>
        %mul3A_379 = arith.constant 512 : i32
        %mul3A_380 = vector.broadcast %mul3A_379 : i32 to vector<16xi32>
        %mul3A_381 = arith.muli %get3A_378, %mul3A_380 : vector<16xi32>
        %add3A_382 = arith.constant 80 : i32
        %add3A_383 = vector.broadcast %add3A_382 : i32 to vector<16xi32>
        %add3A_384 = arith.addi %iota3A, %add3A_383 : vector<16xi32>
        %add3A_385 = arith.addi %mul3A_381, %add3A_384 : vector<16xi32>
        %swap3A_386 = arith.constant 80 : index
        %swap3A_387 = tpu.vector_load %arg16[%swap3A_386] {strides = array<i32>} : memref<128xi32, #tpu.memory_space<vmem>>, vector<16xi32>,
        %swap3A_388 = vector.shape_cast %swap3A_387 : vector<16xi32> to vector<16xi32>
        %swap3A_389 = vector.shape_cast %add3A_385 : vector<16xi32> to vector<16xi32>
        tpu.vector_store %arg16[%swap3A_386], %swap3A_389 {strides = array<i32>} : memref<128xi32, #tpu.memory_space<vmem>>, vector<16xi32>,
        %get3A_390 = arith.constant 96 : index
        %get3A_391 = tpu.vector_load %arg12[%get3A_390] {strides = array<i32>} : memref<128xi32, #tpu.memory_space<vmem>>, vector<16xi32>,
        %get3A_392 = vector.shape_cast %get3A_391 : vector<16xi32> to vector<16xi32>
        %mul3A_393 = arith.constant 512 : i32
        %mul3A_394 = vector.broadcast %mul3A_393 : i32 to vector<16xi32>
        %mul3A_395 = arith.muli %get3A_392, %mul3A_394 : vector<16xi32>
        %add3A_396 = arith.constant 96 : i32
        %add3A_397 = vector.broadcast %add3A_396 : i32 to vector<16xi32>
        %add3A_398 = arith.addi %iota3A, %add3A_397 : vector<16xi32>
        %add3A_399 = arith.addi %mul3A_395, %add3A_398 : vector<16xi32>
        %swap3A_400 = arith.constant 96 : index
        %swap3A_401 = tpu.vector_load %arg16[%swap3A_400] {strides = array<i32>} : memref<128xi32, #tpu.memory_space<vmem>>, vector<16xi32>,
        %swap3A_402 = vector.shape_cast %swap3A_401 : vector<16xi32> to vector<16xi32>
        %swap3A_403 = vector.shape_cast %add3A_399 : vector<16xi32> to vector<16xi32>
        tpu.vector_store %arg16[%swap3A_400], %swap3A_403 {strides = array<i32>} : memref<128xi32, #tpu.memory_space<vmem>>, vector<16xi32>,
        %get3A_404 = arith.constant 112 : index
        %get3A_405 = tpu.vector_load %arg12[%get3A_404] {strides = array<i32>} : memref<128xi32, #tpu.memory_space<vmem>>, vector<16xi32>,
        %get3A_406 = vector.shape_cast %get3A_405 : vector<16xi32> to vector<16xi32>
        %mul3A_407 = arith.constant 512 : i32
        %mul3A_408 = vector.broadcast %mul3A_407 : i32 to vector<16xi32>
        %mul3A_409 = arith.muli %get3A_406, %mul3A_408 : vector<16xi32>
        %add3A_410 = arith.constant 112 : i32
        %add3A_411 = vector.broadcast %add3A_410 : i32 to vector<16xi32>
        %add3A_412 = arith.addi %iota3A, %add3A_411 : vector<16xi32>
        %add3A_413 = arith.addi %mul3A_409, %add3A_412 : vector<16xi32>
        %swap3A_414 = arith.constant 112 : index
        %swap3A_415 = tpu.vector_load %arg16[%swap3A_414] {strides = array<i32>} : memref<128xi32, #tpu.memory_space<vmem>>, vector<16xi32>,
        %swap3A_416 = vector.shape_cast %swap3A_415 : vector<16xi32> to vector<16xi32>
        %swap3A_417 = vector.shape_cast %add3A_413 : vector<16xi32> to vector<16xi32>
        tpu.vector_store %arg16[%swap3A_414], %swap3A_417 {strides = array<i32>} : memref<128xi32, #tpu.memory_space<vmem>>, vector<16xi32>,
        %dma_start3A_418 = arith.constant 0 : i32
        %dma_start3A_419 = arith.constant 0 : i32
        %dma_start3A_420 = tpu.memref_slice %arg7[%dma_start3A_418, %dma_start3A_419] : memref<1536x128xf32, #tpu.memory_space<vmem_shared>> -> memref<1536x128xf32, #tpu.memory_space<vmem_shared>>
        tpu.enqueue_indirect_dma source(%dma_start3A_420 : memref<1536x128xf32, #tpu.memory_space<vmem_shared>>) target(%arg20 : memref<128x128xf32, #tpu.memory_space<vmem>>) offsets(%arg16 : memref<128xi32, #tpu.memory_space<vmem>>) semaphore(%arg28 : memref<!tpu.dma_semaphore, #tpu.memory_space<semaphore_mem>>)
      } else {
      }
      %ge3A_286 = arith.constant 1 : i32
      %ge3A_287 = arith.cmpi sge, %add3A_265, %ge3A_286 : i32
      %convert_element_type3A_288 = arith.extui %ge3A_287 : i1 to i32
      %cond3A_289 = arith.constant 0 : i32
      %cond3A_290 = arith.cmpi ne, %convert_element_type3A_288, %cond3A_289 : i32
      scf.if %cond3A_290 {
        %dma_wait3A_291 = arith.constant 0 : i32
        %dma_wait3A_292 = arith.constant 0 : i32
        %dma_wait3A_293 = tpu.memref_slice %arg4[%dma_wait3A_291, %dma_wait3A_292] : memref<100000x128xf32, #tpu.memory_space<hbm>> -> memref<100000x128xf32, #tpu.memory_space<hbm>>
        tpu.wait_indirect_dma semaphore(%arg34 : memref<!tpu.dma_semaphore, #tpu.memory_space<semaphore_mem>>) src(%dma_wait3A_293 : memref<100000x128xf32, #tpu.memory_space<hbm>>) dst(%arg22 : memref<128x128xf32, #tpu.memory_space<vmem>>)
        %sub3A = arith.constant 1 : i32
        %sub3A_294 = arith.subi %add3A_265, %sub3A : i32
        %mul3A_295 = arith.constant 128 : i32
        %mul3A_296 = arith.muli %sub3A_294, %mul3A_295 : i32
        %add3A_297 = arith.addi %mul3A_4, %mul3A_296 : i32
        %dma_start3A_298 = arith.constant 0 : i32
        %dma_start3A_299 = tpu.memref_slice %arg6[%add3A_297, %dma_start3A_298] : memref<524288x128xf32, #tpu.memory_space<hbm>> -> memref<128x128xf32, #tpu.memory_space<hbm>>
        %dma_start3A_300 = arith.constant 0 : i32
        %dma_start3A_301 = tpu.memref_slice %arg6[%add3A_297, %dma_start3A_300] : memref<524288x128xf32, #tpu.memory_space<hbm>> -> memref<128x128xf32, #tpu.memory_space<hbm>>
        tpu.enqueue_dma source(%arg22 : memref<128x128xf32, #tpu.memory_space<vmem>>) target(%dma_start3A_301 : memref<128x128xf32, #tpu.memory_space<hbm>>) target_semaphore(%arg38 : memref<!tpu.dma_semaphore, #tpu.memory_space<semaphore_mem>>)
      } else {
      }
    }
    %scan3A_144 = arith.constant 32 : i32
    %dma_wait3A_145 = arith.constant 0 : i32
    %dma_wait3A_146 = arith.constant 0 : i32
    %dma_wait3A_147 = tpu.memref_slice %arg4[%dma_wait3A_145, %dma_wait3A_146] : memref<100000x128xf32, #tpu.memory_space<hbm>> -> memref<100000x128xf32, #tpu.memory_space<hbm>>
    tpu.wait_indirect_dma semaphore(%arg35 : memref<!tpu.dma_semaphore, #tpu.memory_space<semaphore_mem>>) src(%dma_wait3A_147 : memref<100000x128xf32, #tpu.memory_space<hbm>>) dst(%arg23 : memref<128x128xf32, #tpu.memory_space<vmem>>)
    %add3A_148 = arith.constant 16256 : i32
    %add3A_149 = arith.addi %mul3A_4, %add3A_148 : i32
    %dma_start3A_150 = arith.constant 0 : i32
    %dma_start3A_151 = tpu.memref_slice %arg6[%add3A_149, %dma_start3A_150] : memref<524288x128xf32, #tpu.memory_space<hbm>> -> memref<128x128xf32, #tpu.memory_space<hbm>>
    %dma_start3A_152 = arith.constant 0 : i32
    %dma_start3A_153 = tpu.memref_slice %arg6[%add3A_149, %dma_start3A_152] : memref<524288x128xf32, #tpu.memory_space<hbm>> -> memref<128x128xf32, #tpu.memory_space<hbm>>
    tpu.enqueue_dma source(%arg23 : memref<128x128xf32, #tpu.memory_space<vmem>>) target(%dma_start3A_153 : memref<128x128xf32, #tpu.memory_space<hbm>>) target_semaphore(%arg39 : memref<!tpu.dma_semaphore, #tpu.memory_space<semaphore_mem>>)
    %dma_wait3A_154 = arith.constant 0 : i32
    %dma_wait3A_155 = arith.constant 0 : i32
    %dma_wait3A_156 = tpu.memref_slice %arg6[%dma_wait3A_154, %dma_wait3A_155] : memref<524288x128xf32, #tpu.memory_space<hbm>> -> memref<128x128xf32, #tpu.memory_space<hbm>>
    %dma_wait3A_157 = arith.constant 0 : i32
    %dma_wait3A_158 = arith.constant 0 : i32
    %dma_wait3A_159 = tpu.memref_slice %arg6[%dma_wait3A_157, %dma_wait3A_158] : memref<524288x128xf32, #tpu.memory_space<hbm>> -> memref<128x128xf32, #tpu.memory_space<hbm>>
    tpu.wait_dma2 semaphore(%arg36 : memref<!tpu.dma_semaphore, #tpu.memory_space<semaphore_mem>>) src(%arg20 : memref<128x128xf32, #tpu.memory_space<vmem>>) dst(%dma_wait3A_159 : memref<128x128xf32, #tpu.memory_space<hbm>>)
    %dma_wait3A_160 = arith.constant 0 : i32
    %dma_wait3A_161 = arith.constant 0 : i32
    %dma_wait3A_162 = tpu.memref_slice %arg6[%dma_wait3A_160, %dma_wait3A_161] : memref<524288x128xf32, #tpu.memory_space<hbm>> -> memref<128x128xf32, #tpu.memory_space<hbm>>
    %dma_wait3A_163 = arith.constant 0 : i32
    %dma_wait3A_164 = arith.constant 0 : i32
    %dma_wait3A_165 = tpu.memref_slice %arg6[%dma_wait3A_163, %dma_wait3A_164] : memref<524288x128xf32, #tpu.memory_space<hbm>> -> memref<128x128xf32, #tpu.memory_space<hbm>>
    tpu.wait_dma2 semaphore(%arg37 : memref<!tpu.dma_semaphore, #tpu.memory_space<semaphore_mem>>) src(%arg21 : memref<128x128xf32, #tpu.memory_space<vmem>>) dst(%dma_wait3A_165 : memref<128x128xf32, #tpu.memory_space<hbm>>)
    %dma_wait3A_166 = arith.constant 0 : i32
    %dma_wait3A_167 = arith.constant 0 : i32
    %dma_wait3A_168 = tpu.memref_slice %arg6[%dma_wait3A_166, %dma_wait3A_167] : memref<524288x128xf32, #tpu.memory_space<hbm>> -> memref<128x128xf32, #tpu.memory_space<hbm>>
    %dma_wait3A_169 = arith.constant 0 : i32
    %dma_wait3A_170 = arith.constant 0 : i32
    %dma_wait3A_171 = tpu.memref_slice %arg6[%dma_wait3A_169, %dma_wait3A_170] : memref<524288x128xf32, #tpu.memory_space<hbm>> -> memref<128x128xf32, #tpu.memory_space<hbm>>
    tpu.wait_dma2 semaphore(%arg38 : memref<!tpu.dma_semaphore, #tpu.memory_space<semaphore_mem>>) src(%arg22 : memref<128x128xf32, #tpu.memory_space<vmem>>) dst(%dma_wait3A_171 : memref<128x128xf32, #tpu.memory_space<hbm>>)
    %dma_wait3A_172 = arith.constant 0 : i32
    %dma_wait3A_173 = arith.constant 0 : i32
    %dma_wait3A_174 = tpu.memref_slice %arg6[%dma_wait3A_172, %dma_wait3A_173] : memref<524288x128xf32, #tpu.memory_space<hbm>> -> memref<128x128xf32, #tpu.memory_space<hbm>>
    %dma_wait3A_175 = arith.constant 0 : i32
    %dma_wait3A_176 = arith.constant 0 : i32
    %dma_wait3A_177 = tpu.memref_slice %arg6[%dma_wait3A_175, %dma_wait3A_176] : memref<524288x128xf32, #tpu.memory_space<hbm>> -> memref<128x128xf32, #tpu.memory_space<hbm>>
    tpu.wait_dma2 semaphore(%arg39 : memref<!tpu.dma_semaphore, #tpu.memory_space<semaphore_mem>>) src(%arg23 : memref<128x128xf32, #tpu.memory_space<vmem>>) dst(%dma_wait3A_177 : memref<128x128xf32, #tpu.memory_space<hbm>>)
    return
  }
}

module attributes {stable_mosaic.version = 14 : i64} {
  func.func @_comb_body(%arg0: memref<512x128xf32, #tpu.memory_space<vmem>>, %arg1: memref<3x128xf32, #tpu.memory_space<vmem>>, %arg2: memref<3x512x128xf32, #tpu.memory_space<vmem>>) attributes {dimension_semantics = [], scalar_prefetch = 0 : i64, scratch_operands = 0 : i64, tpu.core_type = #tpu.core_type<tc>} {
    %get3A = arith.constant 0 : index
    %get3A_0 = arith.constant 0 : index
    %get3A_1 = vector.load %arg1[%get3A, %get3A_0] : memref<3x128xf32, #tpu.memory_space<vmem>>, vector<3x128xf32>
    %broadcast_in_dim3A = vector.shape_cast %get3A_1 : vector<3x128xf32> to vector<3x1x128xf32>
    %get3A_2 = arith.constant 0 : index
    %get3A_3 = arith.constant 0 : index
    %get3A_4 = vector.load %arg0[%get3A_2, %get3A_3] : memref<512x128xf32, #tpu.memory_space<vmem>>, vector<512x128xf32>
    %broadcast_in_dim3A_5 = vector.shape_cast %get3A_4 : vector<512x128xf32> to vector<1x512x128xf32>
    %add3A = vector.broadcast %broadcast_in_dim3A : vector<3x1x128xf32> to vector<3x512x128xf32>
    %add3A_6 = vector.broadcast %broadcast_in_dim3A_5 : vector<1x512x128xf32> to vector<3x512x128xf32>
    %add3A_7 = arith.addf %add3A, %add3A_6 : vector<3x512x128xf32>
    %swap3A = arith.constant 0 : index
    %swap3A_8 = arith.constant 0 : index
    %swap3A_9 = arith.constant 0 : index
    %swap3A_10 = vector.load %arg2[%swap3A, %swap3A_8, %swap3A_9] : memref<3x512x128xf32, #tpu.memory_space<vmem>>, vector<3x512x128xf32>
    tpu.vector_store %arg2[%swap3A, %swap3A_8, %swap3A_9], %add3A_7 {strides = array<i32>} : memref<3x512x128xf32, #tpu.memory_space<vmem>>, vector<3x512x128xf32>,
    return
  }
}

</mosaic_0001>

<sc_bundles>
// kernel: _embed.4.cloned.1.call-start
scs
__scs_entry_jumppad:
0x0: {  	(pc) =	sbr.rel $0x88, $3  }
0x1: {  	(tag) =	ssettag $0x0;
	lr =	simm.s32 $0x1  }
0x2: {  	[smem:$0x3F9C] =	sst lr;
	_ =	strace $0xD0000000  }
0x3: {  	_ = 	snop  }
0x4: {  	_ = 	snop  }
0x5: {  	_ = 	snop  }
0x6: {  	_ = 	snop  }
0x7: {  	_ = 	snop  }
__scs_overlays_trampoline_lowered:
0x8: {  	[smem:$0x3FAB] =	sst s0  }
0x9: {  	[smem:$0x3FAC] =	sst s1  }
0xa: {  	[smem:$0x3FAD] =	sst s2  }
0xb: {  	[smem:$0x3FAE] =	sst s3  }
0xc: {  	[smem:$0x3FAF] =	sst s4  }
0xd: {  	[smem:$0x3FB0] =	sst s5  }
0xe: {  	[smem:$0x3FB1] =	sst s6  }
0xf: {  	[smem:$0x3FB2] =	sst s7  }
0x10: {  	[smem:$0x3FB3] =	sst s8  }
0x11: {  	[smem:$0x3FB4] =	sst s9;
	s0 =	simm.s32 @!p0 $0x0  }
0x12: {  	s1 =	sld [smem:$0x3F9A];
	s0 =	simm.s32 @p0 $0x1  }
0x13: {  	[smem:$0x3FB5] =	sst s0;
	s0 =	simm.s32 @!p1 $0x0  }
0x14: {  	s2 =	sld [smem:$0x3F99];
	s0 =	simm.s32 @p1 $0x1  }
0x15: {  	[smem:$0x3FB6] =	sst s0;
	s0 =	simm.s32 @!p2 $0x0  }
0x16: {  	s3 =	sld [smem:$0x3FDB];
	s0 =	simm.s32 @p2 $0x1  }
0x17: {  	s4 =	simm.s32 $0x1BF5;
	[smem:$0x3FB8] =	sst s0  }
0x18: {  	s0 =	sld [smem:$0x3F9B];
	_ =	swait.ge [sflag:s4], $0x0  }
0x19: {  	s7 =	sld [smem:$0x3F9C]  }
0x1a: {  	s8 =	sadd.s32 $0xFFFFE003, lr  }
0x1b: {  	s9 =	sadd.s32 $0xFFFFFEF7, lr;
	s5 =	simm.s32 $0xFFFFFFFF;
	p2 =	slt.u32 s8, $0xFFFFF086  }
0x1c: {  	p1 =	slt.u32 s9, $0xF7A;
	s5 =	simm.s32 @!p2 $0x0  }
0x1d: {  	s5 =	simm.s32 @p1 $0x1;
	p0 =	seq.s32 s7, s2  }
0x1e: {  	s7 =	smul.u32 @!p0 $0xF7A, s2;
	p2 =	seq.s32 @!p0 s5, $0x0  }
0x1f: {  	s9 =	smul.u32 $0xF7A, s1;
	s8 =	simm.s32 @!p0 $0x1BF5;
	p2 =	por !p2, p0  }
0x20: {  	[sflag:s8] =	ssyncset.s32 @!p0 $0xFFFFF086;
	s6 =	sadd.s32 @!p0 s3, s7;
	s7 =	simm.s32 @!p0 $0x108  }
0x21: {  	s3 =	sadd.s32 s3, s9;
	s6 =	sadd.s32 @!p0 $0x88, s6;
	s7 =	simm.s32 @p2 $0x1082  }
0x22: {  	[simem:s7], [sflag:s8] =	dma.local @!p0 [hbm:s6], $0xF7A  }
0x23: {  	s9 =	sor.u32 $0xD0000000, s2;
	s6 =	simm.s32 $0x108;
	_ =	swait.ge @!p0 [sflag:s8], $0x0  }
0x24: {  	s3 =	sadd.s32 $0x88, s3;
	s6 =	simm.s32 @!p1 $0x1082;
	[sflag:s4] =	ssyncset.s32 $0xFFFFF086  }
0x25: {  	[simem:s6], [sflag:s4] =	dma.local [hbm:s3], $0xF7A  }
0x26: {  	[smem:$0x3F9C] =	sst s1;
	(tag) =	ssettag s2;
	_ =	strace s9  }
0x27: {  	s1 =	sld [smem:$0x3FAC]  }
0x28: {  	s2 =	sld [smem:$0x3FAD]  }
0x29: {  	s4 =	sld [smem:$0x3FAF]  }
0x2a: {  	p0 =	seq.s32 s5, $0x0;
	s5 =	sld [smem:$0x3FB0]  }
0x2b: {  	s6 =	sld [smem:$0x3FB1]  }
0x2c: {  	s7 =	sld [smem:$0x3FB2]  }
0x2d: {  	s3 =	simm.s32 $0x108;
	s8 =	sld [smem:$0x3FB3]  }
0x2e: {  	s3 =	simm.s32 @!p0 $0x1082;
	s9 =	sld [smem:$0x3FB4]  }
0x2f: {  	lr =	sadd.s32 s0, s3;
	s0 =	sld [smem:$0x3FAB]  }
0x30: {  	s3 =	sld [smem:$0x3FAE]  }
0x31: {  	[smem:$0x3FB7] =	sst s10  }
0x32: {  	s10 =	sld [smem:$0x3FB5];
	_ =	sdelay $0x3  }
0x33: {  	p0 =	seq.s32 s10, $0x1;
	s10 =	sld [smem:$0x3FB7];
	_ =	sdelay $0x3  }
0x34: {  	[smem:$0x3FB7] =	sst s10  }
0x35: {  	s10 =	sld [smem:$0x3FB6];
	_ =	sdelay $0x3  }
0x36: {  	p1 =	seq.s32 s10, $0x1;
	s10 =	sld [smem:$0x3FB7];
	_ =	sdelay $0x3  }
0x37: {  	[smem:$0x3FB7] =	sst s10  }
0x38: {  	s10 =	sld [smem:$0x3FB8]  }
0x39: {  	_ = 	snop;
	(pc) =	sbr.ind lr, $3  }
0x3a: {  	_ = 	snop  }
0x3b: {  	_ = 	snop  }
0x3c: {  	p2 =	seq.s32 s10, $0x1;
	s10 =	sld [smem:$0x3FB7]  }
0x3d: {  	_ =	shalt  }
0x3e: {  	_ =	shalt  }
0x3f: {  	_ =	shalt  }
0x40: {  	_ =	shalt  }
0x41: {  	_ =	shalt  }
0x42: {  	_ =	shalt  }
0x43: {  	_ =	shalt  }
0x44: {  	_ =	shalt  }
0x45: {  	_ =	shalt  }
0x46: {  	_ =	shalt  }
0x47: {  	_ =	shalt  }
0x48: {  	_ =	shalt  }
0x49: {  	_ =	shalt  }
0x4a: {  	_ =	shalt  }
0x4b: {  	_ =	shalt  }
0x4c: {  	_ =	shalt  }
0x4d: {  	_ =	shalt  }
0x4e: {  	_ =	shalt  }
0x4f: {  	_ =	shalt  }
0x50: {  	_ =	shalt  }
0x51: {  	_ =	shalt  }
0x52: {  	_ =	shalt  }
0x53: {  	_ =	shalt  }
0x54: {  	_ =	shalt  }
0x55: {  	_ =	shalt  }
0x56: {  	_ =	shalt  }
0x57: {  	_ =	shalt  }
0x58: {  	_ =	shalt  }
0x59: {  	_ =	shalt  }
0x5a: {  	_ =	shalt  }
0x5b: {  	_ =	shalt  }
0x5c: {  	_ =	shalt  }
0x5d: {  	_ =	shalt  }
0x5e: {  	_ =	shalt  }
0x5f: {  	_ =	shalt  }
0x60: {  	_ =	shalt  }
0x61: {  	_ =	shalt  }
0x62: {  	_ =	shalt  }
0x63: {  	_ =	shalt  }
0x64: {  	_ =	shalt  }
0x65: {  	_ =	shalt  }
0x66: {  	_ =	shalt  }
0x67: {  	_ =	shalt  }
0x68: {  	_ =	shalt  }
0x69: {  	_ =	shalt  }
0x6a: {  	_ =	shalt  }
0x6b: {  	_ =	shalt  }
0x6c: {  	_ =	shalt  }
0x6d: {  	_ =	shalt  }
0x6e: {  	_ =	shalt  }
0x6f: {  	_ =	shalt  }
0x70: {  	_ =	shalt  }
0x71: {  	_ =	shalt  }
0x72: {  	_ =	shalt  }
0x73: {  	_ =	shalt  }
0x74: {  	_ =	shalt  }
0x75: {  	_ =	shalt  }
0x76: {  	_ =	shalt  }
0x77: {  	_ =	shalt  }
0x78: {  	_ =	shalt  }
0x79: {  	_ =	shalt  }
0x7a: {  	_ =	shalt  }
0x7b: {  	_ =	shalt  }
0x7c: {  	_ =	shalt  }
0x7d: {  	_ =	shalt  }
0x7e: {  	_ =	shalt  }
0x7f: {  	_ =	shalt  }
0x80: {  	_ =	shalt  }
0x81: {  	_ =	shalt  }
0x82: {  	_ =	shalt  }
0x83: {  	_ =	shalt  }
0x84: {  	_ =	shalt  }
0x85: {  	_ =	shalt  }
0x86: {  	_ =	shalt  }
0x87: {  	_ =	shalt  }
.Lfunc_end0:
.L_simem_size_0:
called_computation_lowered:
.L_overlay_start_0:
0x88: {  	s2 =	sld [smem:$0x3FD9]  }
0x89: {  	s3 =	sld [smem:$0x3FFE];
	_ =	sdelay $0x1  }
0x8a: {  	s1 =	srdreg.scid  }
0x8b: {  	s0 =	sand.u32 $0x1, s1  }
0x8c: {  	s17 =	sshll.u32 s0, $0xA;
	s2 =	sadd.s32 s3, s2  }
0x8d: {  	s2 =	sadd.s32 s2, s17  }
0x8e: {  	[smem:$0x3FC3] =	sst s2  }
0x8f: {  	_ = 	snop  }
0x90: {  	s2 =	sld [smem:$0x3FC9]  }
0x91: {  	s18 =	sld [smem:$0x3FC8]  }
0x92: {  	s4 =	sld [smem:$0x3FC7]  }
0x93: {  	s5 =	sld [smem:$0x3FD0];
	(tm) =	ssettm $0x1  }
0x94: {  	s6 =	sld [smem:$0x3FFB];
	_ =	sdelay $0x3  }
0x95: {  	_ =	strace s6  }
0x96: {  	s6 =	sld [smem:$0x3FFC];
	_ =	sdelay $0x3  }
0x97: {  	_ =	strace s6  }
0x98: {  	s6 =	sld [smem:$0x3FFD];
	_ =	sdelay $0x3  }
0x99: {  	_ =	strace s6  }
0x9a: {  	_ =	strace $0x8FFFFFFF  }
0x9b: {  	s19 =	sld [smem:$0x3FDB];
	_ =	sdelay $0x1  }
0x9c: {  	s7 =	simm.s32 $_scs_section_size  }
0x9d: {  	s8 =	simm.s32 $_size__tile_overlayer_lowered;
	s9 =	simm.s32 $_tile_overlayer_lowered  }
0x9e: {  	s22 =	simm.s32 $0x1BFF;
	s21 =	sshll.u32 s9, $0x1;
	s6 =	sadd.s32 s7, s19  }
0x9f: {  	s10 =	simm.s32 $0x0;
	s20 =	sshll.u32 s8, $0x1;
	s8 =	sadd.s32 s21, s6  }
0xa0: {  	[timem:s10], [sflag:s22] =	dma.local [hbm:s8], s20  }
0xa1: {  	_ =	swait.ge [sflag:s22], s20  }
0xa2: {  	s7 =	ssub.s32 $0x0, s20;
	[sflag:s22] =	ssyncset.done $0x0  }
0xa3: {  	[sflag:s22] =	ssyncadd.s32 s7;
	_ =	sdelay $0x1  }
0xa4: {  	s23 =	simm.s32 $0x1B8B  }
0xa5: {  	_ =	swait.ge [sflag:s23], $0x1  }
0xa6: {  	[sflag:s23] =	ssyncset.done $0x0  }
0xa7: {  	s25 =	simm.s32 $0x1B8E;
	s24 =	sld [smem:$0x3FFE];
	[sflag:s23] =	ssyncadd.s32 $0xFFFFFFFF  }
0xa8: {  	s26 =	simm.s32 $execute0_lowered;
	[smem:$0x3FD2] =	sst s25  }
0xa9: {  	s8 =	sshll.u32 s26, $0x1;
	_ =	strace $0x80000046;
	[dreg:$0x1] =	wrdreg $0xFFFFFFFF  }
0xaa: {  	s28 =	simm.s32 $_size_execute0_lowered;
	s6 =	sadd.s32 s6, s8;
	[dreg:$0x0] =	wrdreg $0x0  }
0xab: {  	s8 =	sshll.u32 s28, $0x1;
	[dreg:$0x2] =	wrdreg s6  }
0xac: {  	[dreg:$0x3] =	wrdreg s8  }
0xad: {  	[dreg:$0x4] =	wrdreg $0xC0  }
0xae: {  	_ =	task [dreg:s10], $0x5FFFF  }
0xaf: {  	[dreg:$0x1] =	wrdreg $0xFFFFFFFF  }
0xb0: {  	[dreg:$0x0] =	wrdreg $0x60  }
0xb1: {  	[dreg:$0x2] =	wrdreg s2  }
0xb2: {  	[dreg:$0x3] =	wrdreg s18  }
0xb3: {  	[dreg:$0x4] =	wrdreg s4  }
0xb4: {  	[dreg:$0x5] =	wrdreg s24  }
0xb5: {  	[dreg:$0x6] =	wrdreg s5  }
0xb6: {  	[dreg:$0x7] =	wrdreg $0x0  }
0xb7: {  	[dreg:$0x8] =	wrdreg $0x9  }
0xb8: {  	_ =	task.clear_ibuf [dreg:s10], $0x9FFFF;
	_ =	strace $0x90000046  }
0xb9: {  	s29 =	simm.s32 $0x9;
	_ =	strace $0x80000048  }
0xba: {  	_ =	swait.ge [sflag:s29], $0x1  }
0xbb: {  	[sflag:s29] =	ssyncadd.s32 $0xFFFFFFFF  }
0xbc: {  	_ =	strace $0x90000048  }
0xbd: {  	_ =	sfence  }
0xbe: {  	s30 =	sld [smem:$0x0];
	_ =	sdelay $0x2  }
0xbf: {  	s31 =	sshll.u32 s1, $0xD;
	s1 =	sshrl.u32 s1, $0x2  }
0xc0: {  	s3 =	sand.u32 $0x4000, s31;
	s1 =	sadd.s32 s1, s30  }
0xc1: {  	s0 =	sor.u32 s3, s0;
	s1 =	sshll.u32 s1, $0x11  }
0xc2: {  	s0 =	sor.u32 s1, s0  }
0xc3: {  	s0 =	sadd.s32 $0x8F2B, s0  }
0xc4: {  	[sflag:s0] =	ssyncadd.remote.s32 $0x1  }
0xc5: {  	_ =	sfence.sel $0xFFFF  }
0xc6: {  	[dreg:$0x0] =	wrdreg $0xFFFFFFFF;
	(pc) =	sbr.abs _section_cstart, $3  }
0xc7: {  	[dreg:$0x1] =	wrdreg $0xFFFFFFFF  }
0xc8: {  	_ =	task.clear_ibuf [dreg:s10], $0x2FFFF;
	_ =	strace $0x9FFFFFFF  }
0xc9: {  	(tm) =	ssettm $0x7FFFFFFF  }
tec
execute0_lowered:
.L_overlay_start_1:
0x0: {  	(tag) =	ssettag $0x1  }
0x1: {  	s0 =	rddreg [dreg:$0x0]  }
0x2: {  	s2 =	rddreg [dreg:$0x1]  }
0x3: {  	s1 =	rddreg [dreg:$0x2]  }
0x4: {  	s5 =	rddreg [dreg:$0x3]  }
0x5: {  	s6 =	rddreg [dreg:$0x4]  }
0x6: {  	s3 =	rddreg [dreg:$0x5]  }
0x7: {  	s13 =	stileid.u32;
	s7 =	srdreg.scid  }
0x8: {  	s4 =	simm.s32 $0x0;
	s28 =	simm.s32 $0x7600;
	s29 =	simm.s32 $0x6  }
0x9: {  	s30 =	simm.s32 $0x3180;
	s31 =	simm.s32 $0x3;
	s8 =	smul.u32 $0x600, s13  }
0xa: {  	s7 =	sand.u32 $0x1, s7;
	[smem:$0x7FF] =	sst s4;
	s10 =	smul.u32 $0xC000, s13  }
0xb: {  	s11 =	sshll.u32 s13, $0xF;
	s19 =	sshll.u32 s13, $0x6;
	s26 =	sshll.u32 s13, $0x13  }
0xc: {  	s9 =	ssub.s32 $0x2, s7;
	_ =	strace $0x80000047;
	s12 =	sshll.u32 s7, $0xE  }
0xd: {  	s7 =	sshll.u32 s7, $0x12;
	s5 =	sadd.s32 s8, s5;
	s18 =	sshrl.u32 s9, $0x1  }
0xe: {  	s10 =	sshrl.u32 s10, $0x2;
	s8 =	ssub.s32 s9, s18;
	s5 =	sadd.s32 $0xA00, s5  }
0xf: {  	s9 =	sor.u32 s12, s11;
	s10 =	sadd.s32 s10, s3;
	[dreg:$0x14] =	wrdreg s5  }
0x10: {  	s11 =	sshrl.u32 s9, $0x3;
	s5 =	sor.u32 $0x1C11, s19;
	s23 =	sshll.u32 s9, $0x4  }
0x11: {  	s25 =	sor.u32 $0x100, s9;
	s8 =	smax.u32 s8, $0x1;
	[dreg:$0x15] =	wrdreg s5  }
0x12: {  	s16 =	sor.u32 $0x280, s9;
	s20 =	sadd.s32 s11, s0;
	[dreg:$0x1b] =	wrdreg s8  }
0x13: {  	s21 =	sor.u32 $0x10, s11;
	s14 =	sadd.s32 s11, s2;
	[dreg:$0x16] =	wrdreg s20  }
0x14: {  	s24 =	sadd.s32 s23, s6;
	s23 =	simm.s32 $0x3480;
	[dreg:$0x17] =	wrdreg s14  }
0x15: {  	s11 =	sshrl.u32 s25, $0x3;
	s25 =	simm.s32 $0x3500;
	[dreg:$0x10] =	wrdreg s23  }
0x16: {  	s9 =	sor.u32 $0x200, s9;
	s22 =	sadd.s32 s0, s21;
	[dreg:$0x12] =	wrdreg s25  }
0x17: {  	s5 =	sadd.s32 s2, s21;
	s8 =	sadd.s32 s11, s2;
	[dreg:$0x18] =	wrdreg s22  }
0x18: {  	s13 =	sadd.s32 s11, s0;
	s15 =	sadd.s32 $0x30, s20;
	[dreg:$0x19] =	wrdreg s5  }
0x19: {  	s17 =	sadd.s32 $0x30, s14;
	s20 =	sshrl.u32 s9, $0x3;
	[dreg:$0x7] =	wrdreg s8  }
0x1a: {  	s21 =	sshrl.u32 s10, $0x3;
	s23 =	simm.s32 $0x3600;
	[dreg:$0x8] =	wrdreg s13  }
0x1b: {  	s25 =	simm.s32 $0x3100;
	s9 =	simm.s32 $0xB;
	[dreg:$0x9] =	wrdreg s15  }
0x1c: {  	v0 =	vlaneseq.u32;
	s10 =	simm.s32 $0x0;
	s5 =	sadd.s32 $0x3F800, s24;
	[dreg:$0xa] =	wrdreg s17  }
0x1d: {  	v1 =	vor.u32 $0x10, v0;
	s8 =	sshrl.u32 s16, $0x3;
	[dreg:$0x1d] =	wrdreg s21;
	s16 =	simm.s32 $0x3000  }
0x1e: {  	v2 =	vor.u32 $0x20, v0;
	v3 =	vor.u32 $0x30, v0;
	v4 =	vor.u32 $0x40, v0;
	s22 =	simm.s32 $0x3300;
	s21 =	simm.s32 $0x80;
	[dreg:$0x1a] =	wrdreg s5  }
0x1f: {  	v5 =	vor.u32 $0x50, v0;
	v6 =	vor.u32 $0x60, v0;
	v7 =	vor.u32 $0x70, v0;
	s24 =	simm.s32 $0x3380;
	s17 =	simm.s32 $0x7;
	[dreg:$0xf] =	wrdreg s22  }
0x20: {  	v8 =	vor.u32 $0x80, v0;
	v9 =	vor.u32 $0x90, v0;
	v10 =	vor.u32 $0xA0, v0;
	s5 =	sadd.s32 s26, s6;
	s18 =	sadd.s32 s8, s2;
	[dreg:$0x11] =	wrdreg s24  }
0x21: {  	v11 =	vor.u32 $0xB0, v0;
	v12 =	vor.u32 $0xC0, v0;
	v13 =	vor.u32 $0xD0, v0;
	s19 =	sadd.s32 s8, s0;
	s2 =	sadd.s32 s20, s2;
	[dreg:$0xb] =	wrdreg s18  }
0x22: {  	v14 =	vor.u32 $0xE0, v0;
	v15 =	vor.u32 $0xF0, v0;
	v16 =	vor.u32 $0x100, v0;
	s0 =	sadd.s32 s20, s0;
	s24 =	simm.s32 $0x5;
	[dreg:$0xc] =	wrdreg s19  }
0x23: {  	v17 =	vor.u32 $0x110, v0;
	v18 =	vor.u32 $0x120, v0;
	v19 =	vor.u32 $0x130, v0;
	s26 =	simm.s32 $0x3580;
	s22 =	simm.s32 $0xF600;
	[dreg:$0xd] =	wrdreg s2  }
0x24: {  	v20 =	vor.u32 $0x140, v0;
	v21 =	vor.u32 $0x150, v0;
	v22 =	vor.u32 $0x160, v0;
	s6 =	simm.s32 $0x8;
	s5 =	sadd.s32 s7, s5;
	[dreg:$0xe] =	wrdreg s0  }
0x25: {  	v23 =	vor.u32 $0x170, v0;
	v24 =	vor.u32 $0x180, v0;
	v25 =	vor.u32 $0x190, v0;
	s18 =	simm.s32 $0x3080;
	[dreg:$0x13] =	wrdreg s26;
	s26 =	simm.s32 $0x2  }
0x26: {  	v26 =	vor.u32 $0x1A0, v0;
	v27 =	vor.u32 $0x1B0, v0;
	v28 =	vor.u32 $0x1C0, v0;
	s0 =	simm.s32 $0xB600;
	s2 =	simm.s32 $0x9;
	s5 =	sadd.s32 $0xFFFFF800, s5  }
0x27: {  	v29 =	vor.u32 $0x1D0, v0;
	v30 =	vor.u32 $0x1E0, v0;
	v31 =	vor.u32 $0x1F0, v0;
	s19 =	simm.s32 $0x4;
	[dreg:$0x1c] =	wrdreg s5;
	s5 =	simm.s32 $0xA  }
.LBB2_1:
0x28: {  	[dreg:$0x1e] =	wrdreg s10  }
0x29: {  	s7 =	rddreg [dreg:$0x14]  }
0x2a: {  	s8 =	rddreg [dreg:$0x15]  }
0x2b: {  	s20 =	rddreg [dreg:$0x1d];
	s10 =	simm.s32 $0x11  }
0x2c: {  	[spmem:s20], [sflag:s8] =	dma.local [hbm:s7], $0x600  }
0x2d: {  	_ =	swait.ge [sflag:s10], $0x600  }
0x2e: {  	[sflag:s10] =	ssyncset.done $0x0  }
0x2f: {  	[sflag:s10] =	ssyncadd.s32 $0xFFFFFA00  }
0x30: {  	[bflag:$0x0] =	sbarrier.arrive $0xFFFF  }
0x31: {  	s11 =	rddreg [dreg:$0x16]  }
0x32: {  	[tilespmem:s16], [sflag:$0x1] =	stream.linear.gather [hbm4b:s11+s4], $0x80, $0x38;
	[tilespmem:$0x13600] =	vst v63  }
0x33: {  	s13 =	simm.s32 $0x3200;
	s12 =	rddreg [dreg:$0x17]  }
0x34: {  	[tilespmem:s13], [sflag:$0x1] =	stream.linear.gather [hbm4b:s12+s4], $0x80, $0x38;
	[tilespmem:$0x13600] =	vst v63  }
0x35: {  	s14 =	rddreg [dreg:$0x18]  }
0x36: {  	[tilespmem:s18], [sflag:$0x2] =	stream.linear.gather [hbm4b:s14+s4], $0x80, $0x38;
	[tilespmem:$0x13600] =	vst v63  }
0x37: {  	s20 =	simm.s32 $0x3280;
	s10 =	simm.s32 $0x1;
	s15 =	rddreg [dreg:$0x19]  }
0x38: {  	[tilespmem:s20], [sflag:$0x2] =	stream.linear.gather [hbm4b:s15+s4], $0x80, $0x38;
	[tilespmem:$0x13600] =	vst v63  }
0x39: {  	_ =	swait.ge [sflag:s10], $0x80  }
0x3a: {  	[sflag:s10] =	ssyncset.done $0x0  }
0x3b: {  	[sflag:s10] =	ssyncadd.s32 $0xFFFFFF80  }
0x3c: {  	_ =	swait.ge [sflag:s10], $0x80  }
0x3d: {  	[sflag:s10] =	ssyncset.done $0x0  }
0x3e: {  	[sflag:s10] =	ssyncadd.s32 $0xFFFFFF80  }
0x3f: {  	v32 =	vld [tilespmem:$0x3200]  }
0x40: {  	v33 =	vld [tilespmem:$0x3210]  }
0x41: {  	v34 =	vld [tilespmem:$0x3220]  }
0x42: {  	v35 =	vld [tilespmem:$0x3230]  }
0x43: {  	v36 =	vld [tilespmem:$0x3240]  }
0x44: {  	v37 =	vld [tilespmem:$0x3250];
	v32 =	vshll.u32 v32, $0x9  }
0x45: {  	v38 =	vld [tilespmem:$0x3260];
	v33 =	vshll.u32 v33, $0x9;
	v32 =	vor.u32 v0, v32  }
0x46: {  	v57 =	vld [tilespmem:$0x3270];
	v56 =	vshll.u32 v34, $0x9;
	v55 =	vor.u32 v1, v33;
	[tilespmem:$0x3400] =	vst v32  }
0x47: {  	v59 =	vshll.u32 v35, $0x9;
	v58 =	vor.u32 v2, v56;
	[tilespmem:$0x3410] =	vst v55  }
0x48: {  	v61 =	vshll.u32 v36, $0x9;
	v60 =	vor.u32 v3, v59;
	[tilespmem:$0x3420] =	vst v58  }
0x49: {  	v63 =	vshll.u32 v37, $0x9;
	v62 =	vor.u32 v4, v61;
	[tilespmem:$0x3430] =	vst v60  }
0x4a: {  	v37 =	vshll.u32 v38, $0x9;
	v36 =	vor.u32 v5, v63;
	[tilespmem:$0x3440] =	vst v62  }
0x4b: {  	v39 =	vshll.u32 v57, $0x9;
	v38 =	vor.u32 v6, v37;
	[tilespmem:$0x3450] =	vst v36  }
0x4c: {  	v40 =	vor.u32 v7, v39;
	[tilespmem:$0x3460] =	vst v38  }
0x4d: {  	s11 =	simm.s32 $0x3400;
	[tilespmem:$0x3470] =	vst v40  }
0x4e: {  	[tilespmem:s23], [sflag:$0x5] =	stream.indirect.gather [spmem:s3], $0x80, s11, s21, $0xb8;
	[tilespmem:$0x13600] =	vst v63  }
0x4f: {  	_ =	swait.ge [sflag:s24], $0x4000  }
0x50: {  	[sflag:s24] =	ssyncset.done $0x0  }
0x51: {  	s12 =	rddreg [dreg:$0x8];
	[sflag:s24] =	ssyncadd.s32 $0xFFFFC000  }
0x52: {  	[tilespmem:s23], [sflag:$0x9] =	stream.indirect.gather.add.f32 [hbm:s1], $0x80, s16, s21, $0xb8;
	[tilespmem:$0x13600] =	vst v63  }
0x53: {  	s13 =	rddreg [dreg:$0x7];
	s7 =	sadd.s32 $0x0, s12  }
0x54: {  	[tilespmem:s25], [sflag:$0x3] =	stream.linear.gather [hbm4b:s7+s4], $0x80, $0x38;
	[tilespmem:$0x13600] =	vst v63  }
0x55: {  	s14 =	rddreg [dreg:$0xf];
	s15 =	sadd.s32 $0x0, s13  }
0x56: {  	[tilespmem:s14], [sflag:$0x3] =	stream.linear.gather [hbm4b:s15+s4], $0x80, $0x38;
	[tilespmem:$0x13600] =	vst v63  }
0x57: {  	_ =	swait.ge [sflag:s26], $0x80  }
0x58: {  	[sflag:s26] =	ssyncset.done $0x0  }
0x59: {  	[sflag:s26] =	ssyncadd.s32 $0xFFFFFF80  }
0x5a: {  	_ =	swait.ge [sflag:s26], $0x80  }
0x5b: {  	p0 =	por $0x1, $0x1;
	[sflag:s26] =	ssyncset.done $0x0  }
0x5c: {  	s7 =	simm.s32 @!p0 $0xE;
	[sflag:s26] =	ssyncadd.s32 $0xFFFFFF80  }
0x5d: {  	_ =	swait.ge @!p0 [sflag:s7], $0x4000  }
0x5e: {  	[sflag:s7] =	ssyncset.done @!p0 $0x0  }
0x5f: {  	[sflag:s7] =	ssyncadd.s32 @!p0 $0xFFFFC000  }
0x60: {  	v41 =	vld [tilespmem:$0x3290]  }
0x61: {  	v42 =	vld [tilespmem:$0x32A0]  }
0x62: {  	v43 =	vld [tilespmem:$0x32B0]  }
0x63: {  	v44 =	vld [tilespmem:$0x32D0]  }
0x64: {  	v46 =	vld [tilespmem:$0x32E0]  }
0x65: {  	v47 =	vld [tilespmem:$0x32F0];
	v32 =	vshll.u32 v41, $0x9  }
0x66: {  	v45 =	vld [tilespmem:$0x32C0];
	v33 =	vshll.u32 v42, $0x9;
	v32 =	vor.u32 v9, v32  }
0x67: {  	v39 =	vld [tilespmem:$0x3280];
	v34 =	vshll.u32 v43, $0x9;
	v33 =	vor.u32 v10, v33;
	[tilespmem:$0x3490] =	vst v32  }
0x68: {  	v49 =	vshll.u32 v44, $0x9;
	v48 =	vor.u32 v11, v34;
	[tilespmem:$0x34A0] =	vst v33  }
0x69: {  	v52 =	vshll.u32 v46, $0x9;
	v50 =	vor.u32 v13, v49;
	[tilespmem:$0x34B0] =	vst v48  }
0x6a: {  	v54 =	vshll.u32 v47, $0x9;
	v53 =	vor.u32 v14, v52;
	[tilespmem:$0x34D0] =	vst v50  }
0x6b: {  	v51 =	vshll.u32 v45, $0x9;
	v34 =	vor.u32 v15, v54;
	[tilespmem:$0x34E0] =	vst v53  }
0x6c: {  	v55 =	vshll.u32 v39, $0x9;
	v32 =	vor.u32 v12, v51;
	[tilespmem:$0x34F0] =	vst v34  }
0x6d: {  	[tilespmem:$0x34C0] =	vst v32;
	v32 =	vor.u32 v8, v55  }
0x6e: {  	s8 =	simm.s32 @!p0 $0xC;
	s20 =	rddreg [dreg:$0x10];
	[tilespmem:$0x3480] =	vst v32  }
0x6f: {  	[tilespmem:s28], [sflag:$0x6] =	stream.indirect.gather [spmem:s3], $0x80, s20, s21, $0xb8;
	[tilespmem:$0x13600] =	vst v63  }
0x70: {  	_ =	swait.ge @!p0 [sflag:s8], $0x4000  }
0x71: {  	s7 =	simm.s32 @!p0 $0x0;
	[sflag:s8] =	ssyncset.done @!p0 $0x0  }
0x72: {  	s13 =	rddreg [dreg:$0x1c];
	[sflag:s8] =	ssyncadd.s32 @!p0 $0xFFFFC000;
	s8 =	simm.s32 @!p0 $0xF600  }
0x73: {  	[hbm4b:s13+s7] =	stream.linear.scatter @!p0 [tilespmem:s8], [sflag:$0x10], $0x4000, $0x38;
	[tilespmem:$0x13600] =	vst v63  }
0x74: {  	_ =	swait.ge [sflag:s29], $0x4000  }
0x75: {  	[sflag:s29] =	ssyncset.done $0x0  }
0x76: {  	s10 =	rddreg [dreg:$0x9];
	[sflag:s29] =	ssyncadd.s32 $0xFFFFC000  }
0x77: {  	[tilespmem:s28], [sflag:$0xA] =	stream.indirect.gather.add.f32 [hbm:s1], $0x80, s18, s21, $0xb8;
	[tilespmem:$0x13600] =	vst v63  }
0x78: {  	s11 =	rddreg [dreg:$0xa];
	s7 =	sadd.s32 $0x0, s10  }
0x79: {  	[tilespmem:s30], [sflag:$0x4] =	stream.linear.gather [hbm4b:s7+s4], $0x80, $0x38;
	[tilespmem:$0x13600] =	vst v63  }
0x7a: {  	s12 =	rddreg [dreg:$0x11];
	s14 =	sadd.s32 $0x0, s11  }
0x7b: {  	[tilespmem:s12], [sflag:$0x4] =	stream.linear.gather [hbm4b:s14+s4], $0x80, $0x38;
	[tilespmem:$0x13600] =	vst v63  }
0x7c: {  	_ =	swait.ge [sflag:s31], $0x80  }
0x7d: {  	[sflag:s31] =	ssyncset.done $0x0  }
0x7e: {  	[sflag:s31] =	ssyncadd.s32 $0xFFFFFF80  }
0x7f: {  	_ =	swait.ge [sflag:s31], $0x80  }
0x80: {  	[sflag:s31] =	ssyncset.done $0x0  }
0x81: {  	s7 =	simm.s32 @!p0 $0xF;
	[sflag:s31] =	ssyncadd.s32 $0xFFFFFF80  }
0x82: {  	_ =	swait.ge @!p0 [sflag:s7], $0x4000  }
0x83: {  	[sflag:s7] =	ssyncset.done @!p0 $0x0  }
0x84: {  	[sflag:s7] =	ssyncadd.s32 @!p0 $0xFFFFC000  }
0x85: {  	v56 =	vld [tilespmem:$0x3360]  }
0x86: {  	v57 =	vld [tilespmem:$0x3370]  }
0x87: {  	v59 =	vld [tilespmem:$0x3300]  }
0x88: {  	v62 =	vld [tilespmem:$0x3310]  }
0x89: {  	v58 =	vld [tilespmem:$0x3320]  }
0x8a: {  	v61 =	vld [tilespmem:$0x3330];
	v32 =	vshll.u32 v56, $0x9  }
0x8b: {  	v60 =	vld [tilespmem:$0x3350];
	v33 =	vshll.u32 v57, $0x9;
	v32 =	vor.u32 v22, v32  }
0x8c: {  	v63 =	vld [tilespmem:$0x3340];
	v43 =	vshll.u32 v59, $0x9;
	v33 =	vor.u32 v23, v33;
	[tilespmem:$0x3560] =	vst v32  }
0x8d: {  	v47 =	vshll.u32 v62, $0x9;
	v44 =	vor.u32 v16, v43;
	[tilespmem:$0x3570] =	vst v33  }
0x8e: {  	v42 =	vshll.u32 v58, $0x9;
	v34 =	vor.u32 v17, v47;
	[tilespmem:$0x3500] =	vst v44  }
0x8f: {  	v46 =	vshll.u32 v61, $0x9;
	v32 =	vor.u32 v18, v42;
	[tilespmem:$0x3510] =	vst v34  }
0x90: {  	v45 =	vshll.u32 v60, $0x9;
	v33 =	vor.u32 v19, v46;
	[tilespmem:$0x3520] =	vst v32  }
0x91: {  	v48 =	vshll.u32 v63, $0x9;
	v32 =	vor.u32 v21, v45;
	[tilespmem:$0x3530] =	vst v33  }
0x92: {  	[tilespmem:$0x3550] =	vst v32;
	v32 =	vor.u32 v20, v48  }
0x93: {  	s15 =	rddreg [dreg:$0x12];
	[tilespmem:$0x3540] =	vst v32  }
0x94: {  	[tilespmem:s0], [sflag:$0x7] =	stream.indirect.gather [spmem:s3], $0x80, s15, s21, $0xb8;
	[tilespmem:$0x13600] =	vst v63  }
0x95: {  	_ =	swait.ge [sflag:s2], $0x4000  }
0x96: {  	[sflag:s2] =	ssyncset.done $0x0  }
0x97: {  	s20 =	sadd.s32 $0x800, s13;
	[sflag:s2] =	ssyncadd.s32 $0xFFFFC000  }
0x98: {  	[hbm4b:s20+s4] =	stream.linear.scatter [tilespmem:s23], [sflag:$0xD], $0x4000, $0x38;
	[tilespmem:$0x13600] =	vst v63  }
0x99: {  	_ =	swait.ge [sflag:s17], $0x4000  }
0x9a: {  	p1 =	por $0x0, $0x0;
	[sflag:s17] =	ssyncset.done $0x0  }
0x9b: {  	s11 =	simm.s32 @!p1 $0x3000;
	s7 =	rddreg [dreg:$0xe];
	[sflag:s17] =	ssyncadd.s32 $0xFFFFC000  }
0x9c: {  	[tilespmem:s0], [sflag:$0xB] =	stream.indirect.gather.add.f32 [hbm:s1], $0x80, s25, s21, $0xb8;
	[tilespmem:$0x13600] =	vst v63  }
0x9d: {  	s8 =	rddreg [dreg:$0xd];
	s10 =	sadd.s32 @!p1 $0x0, s7;
	s7 =	simm.s32 @!p1 $0x0  }
0x9e: {  	[tilespmem:s11], [sflag:$0x1] =	stream.linear.gather @!p1 [hbm4b:s10+s7], $0x80, $0x38;
	[tilespmem:$0x13600] =	vst v63  }
0x9f: {  	s8 =	sadd.s32 @!p1 $0x0, s8;
	s10 =	simm.s32 @!p1 $0x3200  }
0xa0: {  	[tilespmem:s10], [sflag:$0x1] =	stream.linear.gather @!p1 [hbm4b:s8+s7], $0x80, $0x38;
	[tilespmem:$0x13600] =	vst v63  }
0xa1: {  	_ =	swait.ge [sflag:s19], $0x80  }
0xa2: {  	[sflag:s19] =	ssyncset.done $0x0  }
0xa3: {  	[sflag:s19] =	ssyncadd.s32 $0xFFFFFF80  }
0xa4: {  	_ =	swait.ge [sflag:s19], $0x80  }
0xa5: {  	[sflag:s19] =	ssyncset.done $0x0  }
0xa6: {  	s8 =	simm.s32 @!p0 $0x10;
	[sflag:s19] =	ssyncadd.s32 $0xFFFFFF80  }
0xa7: {  	_ =	swait.ge @!p0 [sflag:s8], $0x4000  }
0xa8: {  	[sflag:s8] =	ssyncset.done @!p0 $0x0  }
0xa9: {  	[sflag:s8] =	ssyncadd.s32 @!p0 $0xFFFFC000  }
0xaa: {  	v49 =	vld [tilespmem:$0x33D0]  }
0xab: {  	v50 =	vld [tilespmem:$0x3380]  }
0xac: {  	v51 =	vld [tilespmem:$0x33F0]  }
0xad: {  	v53 =	vld [tilespmem:$0x33E0]  }
0xae: {  	v55 =	vld [tilespmem:$0x33A0]  }
0xaf: {  	v52 =	vld [tilespmem:$0x33B0]  }
0xb0: {  	v54 =	vld [tilespmem:$0x3390];
	v33 =	vshll.u32 v50, $0x9  }
0xb1: {  	v56 =	vld [tilespmem:$0x33C0];
	v34 =	vshll.u32 v51, $0x9;
	v33 =	vor.u32 v24, v33  }
0xb2: {  	v58 =	vshll.u32 v53, $0x9;
	v34 =	vor.u32 v31, v34;
	[tilespmem:$0x3580] =	vst v33  }
0xb3: {  	v61 =	vshll.u32 v55, $0x9;
	v60 =	vor.u32 v30, v58;
	[tilespmem:$0x35F0] =	vst v34  }
0xb4: {  	v57 =	vshll.u32 v52, $0x9;
	v63 =	vor.u32 v26, v61;
	[tilespmem:$0x35E0] =	vst v60  }
0xb5: {  	v59 =	vshll.u32 v54, $0x9;
	v33 =	vor.u32 v27, v57;
	[tilespmem:$0x35A0] =	vst v63  }
0xb6: {  	s15 =	smov.u32 s13;
	v32 =	vshll.u32 v49, $0x9;
	v62 =	vshll.u32 v56, $0x9;
	v34 =	vor.u32 v25, v59;
	[tilespmem:$0x35B0] =	vst v33  }
0xb7: {  	s11 =	simm.s32 $0x40;
	s10 =	simm.s32 $0x0;
	s8 =	rddreg [dreg:$0x13];
	v32 =	vor.u32 v29, v32;
	[tilespmem:$0x3590] =	vst v34;
	v33 =	vor.u32 v28, v62  }
.LBB2_2:
0xb8: {  	[tilespmem:$0x35C0] =	vst v33  }
0xb9: {  	[tilespmem:$0x35D0] =	vst v32  }
0xba: {  	[tilespmem:s22], [sflag:$0x8] =	stream.indirect.gather [spmem:s3], $0x80, s8, s21, $0xb8;
	[tilespmem:$0x13600] =	vst v63  }
0xbb: {  	_ =	swait.ge [sflag:s5], $0x4000  }
0xbc: {  	[sflag:s5] =	ssyncset.done $0x0  }
0xbd: {  	s14 =	sadd.s32 $0x1000, s13;
	[sflag:s5] =	ssyncadd.s32 $0xFFFFC000  }
0xbe: {  	[hbm4b:s14+s4] =	stream.linear.scatter [tilespmem:s28], [sflag:$0xE], $0x4000, $0x38;
	[tilespmem:$0x13600] =	vst v63  }
0xbf: {  	_ =	swait.ge [sflag:s6], $0x4000  }
0xc0: {  	[sflag:s6] =	ssyncset.done $0x0  }
0xc1: {  	s8 =	rddreg [dreg:$0xc];
	[sflag:s6] =	ssyncadd.s32 $0xFFFFC000  }
0xc2: {  	[tilespmem:s22], [sflag:$0xC] =	stream.indirect.gather.add.f32 [hbm:s1], $0x80, s30, s21, $0xb8;
	[tilespmem:$0x13600] =	vst v63  }
0xc3: {  	s14 =	simm.s32 @!p1 $0x3080;
	s12 =	rddreg [dreg:$0xb];
	s8 =	sadd.s32 @!p1 s10, s8  }
0xc4: {  	[tilespmem:s14], [sflag:$0x2] =	stream.linear.gather @!p1 [hbm4b:s8+s7], $0x80, $0x38;
	[tilespmem:$0x13600] =	vst v63  }
0xc5: {  	s8 =	sadd.s32 @!p1 s10, s12;
	s10 =	simm.s32 @!p1 $0x3280;
	s12 =	simm.s32 @!p1 $0x1  }
0xc6: {  	[tilespmem:s10], [sflag:$0x2] =	stream.linear.gather @!p1 [hbm4b:s8+s7], $0x80, $0x38;
	[tilespmem:$0x13600] =	vst v63  }
0xc7: {  	_ =	swait.ge @!p1 [sflag:s12], $0x80  }
0xc8: {  	[sflag:s12] =	ssyncset.done @!p1 $0x0  }
0xc9: {  	[sflag:s12] =	ssyncadd.s32 @!p1 $0xFFFFFF80  }
0xca: {  	_ =	swait.ge @!p1 [sflag:s12], $0x80  }
0xcb: {  	[sflag:s12] =	ssyncset.done @!p1 $0x0  }
0xcc: {  	s7 =	simm.s32 @!p1 $0xD;
	[sflag:s12] =	ssyncadd.s32 @!p1 $0xFFFFFF80  }
0xcd: {  	_ =	swait.ge @!p1 [sflag:s7], $0x4000  }
0xce: {  	[sflag:s7] =	ssyncset.done @!p1 $0x0  }
0xcf: {  	[sflag:s7] =	ssyncadd.s32 @!p1 $0xFFFFC000  }
0xd0: {  	v32 =	vld @!p1 [tilespmem:$0x3200]  }
0xd1: {  	v33 =	vld @!p1 [tilespmem:$0x3210]  }
0xd2: {  	v34 =	vld @!p1 [tilespmem:$0x3220]  }
0xd3: {  	v35 =	vld @!p1 [tilespmem:$0x3230]  }
0xd4: {  	v36 =	vld @!p1 [tilespmem:$0x3250]  }
0xd5: {  	v37 =	vlaneseq.u32 @!p1;
	v38 =	vld @!p1 [tilespmem:$0x3260];
	v32 =	vshll.u32 @!p1 v32, $0x9  }
0xd6: {  	v39 =	vor.u32 @!p1 $0x10, v37;
	v40 =	vld @!p1 [tilespmem:$0x3240];
	v33 =	vshll.u32 @!p1 v33, $0x9;
	v32 =	vor.u32 @!p1 v37, v32  }
0xd7: {  	[tilespmem:$0x3400] =	vst @!p1 v32;
	v32 =	vor.u32 @!p1 v39, v33;
	v33 =	vshll.u32 @!p1 v34, $0x9;
	v34 =	vor.u32 @!p1 $0x20, v37;
	v39 =	vld @!p1 [tilespmem:$0x3270]  }
0xd8: {  	[tilespmem:$0x3410] =	vst @!p1 v32;
	v32 =	vor.u32 @!p1 v34, v33;
	v33 =	vshll.u32 @!p1 v35, $0x9;
	v34 =	vor.u32 @!p1 $0x30, v37  }
0xd9: {  	[tilespmem:$0x3420] =	vst @!p1 v32;
	v32 =	vor.u32 @!p1 v34, v33;
	v33 =	vshll.u32 @!p1 v36, $0x9;
	v34 =	vor.u32 @!p1 $0x50, v37  }
0xda: {  	[tilespmem:$0x3430] =	vst @!p1 v32;
	v32 =	vor.u32 @!p1 v34, v33;
	v33 =	vshll.u32 @!p1 v38, $0x9;
	v34 =	vor.u32 @!p1 $0x60, v37  }
0xdb: {  	v35 =	vshll.u32 @!p1 v40, $0x9;
	v36 =	vor.u32 @!p1 $0x40, v37;
	[tilespmem:$0x3450] =	vst @!p1 v32;
	v32 =	vor.u32 @!p1 v34, v33  }
0xdc: {  	v33 =	vor.u32 @!p1 v36, v35;
	v34 =	vor.u32 @!p1 $0x70, v37;
	[tilespmem:$0x3460] =	vst @!p1 v32;
	v32 =	vshll.u32 @!p1 v39, $0x9  }
0xdd: {  	[tilespmem:$0x3440] =	vst @!p1 v33;
	v32 =	vor.u32 @!p1 v34, v32  }
0xde: {  	s8 =	simm.s32 @!p1 $0x3400;
	s12 =	simm.s32 @!p1 $0x3600;
	s7 =	simm.s32 @!p1 $0x80;
	[tilespmem:$0x3470] =	vst @!p1 v32  }
0xdf: {  	[tilespmem:s12], [sflag:$0x5] =	stream.indirect.gather @!p1 [spmem:s3], $0x80, s8, s7, $0xb8;
	[tilespmem:$0x13600] =	vst v63  }
0xe0: {  	_ =	swait.ge [sflag:s9], $0x4000  }
0xe1: {  	[sflag:s9] =	ssyncset.done $0x0  }
0xe2: {  	s8 =	sadd.s32 $0x1800, s13;
	[sflag:s9] =	ssyncadd.s32 $0xFFFFC000  }
0xe3: {  	[hbm4b:s8+s4] =	stream.linear.scatter [tilespmem:s0], [sflag:$0xF], $0x4000, $0x38;
	[tilespmem:$0x13600] =	vst v63  }
0xe4: {  	_ =	swait.ge [sflag:s24], $0x4000  }
0xe5: {  	s20 =	smov.u32 s11;
	[sflag:s24] =	ssyncset.done $0x0  }
0xe6: {  	s10 =	smov.u32 s20;
	s12 =	rddreg [dreg:$0x8];
	[sflag:s24] =	ssyncadd.s32 $0xFFFFC000  }
0xe7: {  	[tilespmem:s23], [sflag:$0x9] =	stream.indirect.gather.add.f32 [hbm:s1], $0x80, s16, s21, $0xb8;
	[tilespmem:$0x13600] =	vst v63  }
0xe8: {  	s14 =	rddreg [dreg:$0x7];
	s7 =	sadd.s32 s10, s12  }
0xe9: {  	[tilespmem:s25], [sflag:$0x3] =	stream.linear.gather [hbm4b:s7+s4], $0x80, $0x38;
	[tilespmem:$0x13600] =	vst v63  }
0xea: {  	s20 =	rddreg [dreg:$0xf];
	s14 =	sadd.s32 s10, s14  }
0xeb: {  	[tilespmem:s20], [sflag:$0x3] =	stream.linear.gather [hbm4b:s14+s4], $0x80, $0x38;
	[tilespmem:$0x13600] =	vst v63  }
0xec: {  	_ =	swait.ge [sflag:s26], $0x80  }
0xed: {  	[sflag:s26] =	ssyncset.done $0x0  }
0xee: {  	[sflag:s26] =	ssyncadd.s32 $0xFFFFFF80  }
0xef: {  	_ =	swait.ge [sflag:s26], $0x80  }
0xf0: {  	p2 =	seq.s32 s10, $0x0;
	[sflag:s26] =	ssyncset.done $0x0  }
0xf1: {  	s7 =	simm.s32 @!p2 $0xE;
	[sflag:s26] =	ssyncadd.s32 $0xFFFFFF80  }
0xf2: {  	_ =	swait.ge @!p2 [sflag:s7], $0x4000  }
0xf3: {  	[sflag:s7] =	ssyncset.done @!p2 $0x0  }
0xf4: {  	[sflag:s7] =	ssyncadd.s32 @!p2 $0xFFFFC000  }
0xf5: {  	v41 =	vld [tilespmem:$0x3290]  }
0xf6: {  	v40 =	vld [tilespmem:$0x32A0]  }
0xf7: {  	v42 =	vld [tilespmem:$0x32B0]  }
0xf8: {  	v43 =	vld [tilespmem:$0x32D0]  }
0xf9: {  	v44 =	vld [tilespmem:$0x32E0]  }
0xfa: {  	v47 =	vld [tilespmem:$0x3280];
	v33 =	vshll.u32 v41, $0x9  }
0xfb: {  	v45 =	vld [tilespmem:$0x32C0];
	v32 =	vshll.u32 v40, $0x9;
	v33 =	vor.u32 v9, v33  }
0xfc: {  	v46 =	vld [tilespmem:$0x32F0];
	v34 =	vshll.u32 v42, $0x9;
	v32 =	vor.u32 v10, v32;
	[tilespmem:$0x3490] =	vst v33  }
0xfd: {  	v49 =	vshll.u32 v43, $0x9;
	v48 =	vor.u32 v11, v34;
	[tilespmem:$0x34A0] =	vst v32  }
0xfe: {  	v51 =	vshll.u32 v44, $0x9;
	v50 =	vor.u32 v13, v49;
	[tilespmem:$0x34B0] =	vst v48  }
0xff: {  	v54 =	vshll.u32 v47, $0x9;
	v34 =	vor.u32 v14, v51;
	[tilespmem:$0x34D0] =	vst v50  }
0x100: {  	v52 =	vshll.u32 v45, $0x9;
	v55 =	vor.u32 v8, v54;
	[tilespmem:$0x34E0] =	vst v34  }
0x101: {  	v53 =	vshll.u32 v46, $0x9;
	v33 =	vor.u32 v12, v52;
	[tilespmem:$0x3480] =	vst v55  }
0x102: {  	v32 =	vor.u32 v15, v53;
	[tilespmem:$0x34C0] =	vst v33  }
0x103: {  	s8 =	simm.s32 @!p2 $0xC;
	s20 =	rddreg [dreg:$0x10];
	[tilespmem:$0x34F0] =	vst v32  }
0x104: {  	[tilespmem:s28], [sflag:$0x6] =	stream.indirect.gather [spmem:s3], $0x80, s20, s21, $0xb8;
	[tilespmem:$0x13600] =	vst v63  }
0x105: {  	_ =	swait.ge @!p2 [sflag:s8], $0x4000  }
0x106: {  	s15 =	sadd.s32 $0x2000, s15;
	[sflag:s8] =	ssyncset.done @!p2 $0x0  }
0x107: {  	s7 =	simm.s32 @!p2 $0x0;
	[sflag:s8] =	ssyncadd.s32 @!p2 $0xFFFFC000;
	s8 =	simm.s32 @!p2 $0xF600  }
0x108: {  	[hbm4b:s15+s7] =	stream.linear.scatter @!p2 [tilespmem:s8], [sflag:$0x10], $0x4000, $0x38;
	[tilespmem:$0x13600] =	vst v63  }
0x109: {  	_ =	swait.ge [sflag:s29], $0x4000  }
0x10a: {  	[sflag:s29] =	ssyncset.done $0x0  }
0x10b: {  	s12 =	rddreg [dreg:$0x9];
	[sflag:s29] =	ssyncadd.s32 $0xFFFFC000  }
0x10c: {  	[tilespmem:s28], [sflag:$0xA] =	stream.indirect.gather.add.f32 [hbm:s1], $0x80, s18, s21, $0xb8;
	[tilespmem:$0x13600] =	vst v63  }
0x10d: {  	s14 =	rddreg [dreg:$0xa];
	s7 =	sadd.s32 s10, s12  }
0x10e: {  	[tilespmem:s30], [sflag:$0x4] =	stream.linear.gather [hbm4b:s7+s4], $0x80, $0x38;
	[tilespmem:$0x13600] =	vst v63  }
0x10f: {  	s20 =	rddreg [dreg:$0x11];
	s8 =	sadd.s32 s10, s14  }
0x110: {  	[tilespmem:s20], [sflag:$0x4] =	stream.linear.gather [hbm4b:s8+s4], $0x80, $0x38;
	[tilespmem:$0x13600] =	vst v63  }
0x111: {  	_ =	swait.ge [sflag:s31], $0x80  }
0x112: {  	[sflag:s31] =	ssyncset.done $0x0  }
0x113: {  	[sflag:s31] =	ssyncadd.s32 $0xFFFFFF80  }
0x114: {  	_ =	swait.ge [sflag:s31], $0x80  }
0x115: {  	[sflag:s31] =	ssyncset.done $0x0  }
0x116: {  	s7 =	simm.s32 @!p2 $0xF;
	[sflag:s31] =	ssyncadd.s32 $0xFFFFFF80  }
0x117: {  	_ =	swait.ge @!p2 [sflag:s7], $0x4000  }
0x118: {  	[sflag:s7] =	ssyncset.done @!p2 $0x0  }
0x119: {  	[sflag:s7] =	ssyncadd.s32 @!p2 $0xFFFFC000  }
0x11a: {  	v56 =	vld [tilespmem:$0x3360]  }
0x11b: {  	v59 =	vld [tilespmem:$0x3320]  }
0x11c: {  	v60 =	vld [tilespmem:$0x3300]  }
0x11d: {  	v63 =	vld [tilespmem:$0x3310]  }
0x11e: {  	v57 =	vld [tilespmem:$0x3340]  }
0x11f: {  	v58 =	vld [tilespmem:$0x3370];
	v32 =	vshll.u32 v56, $0x9  }
0x120: {  	v61 =	vld [tilespmem:$0x3350];
	v42 =	vshll.u32 v59, $0x9;
	v32 =	vor.u32 v22, v32  }
0x121: {  	v62 =	vld [tilespmem:$0x3330];
	v43 =	vshll.u32 v60, $0x9;
	v34 =	vor.u32 v18, v42;
	[tilespmem:$0x3560] =	vst v32  }
0x122: {  	v47 =	vshll.u32 v63, $0x9;
	v44 =	vor.u32 v16, v43;
	[tilespmem:$0x3520] =	vst v34  }
0x123: {  	v33 =	vshll.u32 v57, $0x9;
	v48 =	vor.u32 v17, v47;
	[tilespmem:$0x3500] =	vst v44  }
0x124: {  	v41 =	vshll.u32 v58, $0x9;
	v33 =	vor.u32 v20, v33;
	[tilespmem:$0x3510] =	vst v48  }
0x125: {  	v45 =	vshll.u32 v61, $0x9;
	v32 =	vor.u32 v23, v41;
	[tilespmem:$0x3540] =	vst v33  }
0x126: {  	v46 =	vshll.u32 v62, $0x9;
	v34 =	vor.u32 v21, v45;
	[tilespmem:$0x3570] =	vst v32  }
0x127: {  	v32 =	vor.u32 v19, v46;
	[tilespmem:$0x3550] =	vst v34  }
0x128: {  	s14 =	rddreg [dreg:$0x12];
	[tilespmem:$0x3530] =	vst v32  }
0x129: {  	[tilespmem:s0], [sflag:$0x7] =	stream.indirect.gather [spmem:s3], $0x80, s14, s21, $0xb8;
	[tilespmem:$0x13600] =	vst v63  }
0x12a: {  	_ =	swait.ge [sflag:s2], $0x4000  }
0x12b: {  	[sflag:s2] =	ssyncset.done $0x0  }
0x12c: {  	s20 =	sadd.s32 $0x800, s15;
	[sflag:s2] =	ssyncadd.s32 $0xFFFFC000  }
0x12d: {  	[hbm4b:s20+s4] =	stream.linear.scatter [tilespmem:s23], [sflag:$0xD], $0x4000, $0x38;
	[tilespmem:$0x13600] =	vst v63  }
0x12e: {  	_ =	swait.ge [sflag:s17], $0x4000  }
0x12f: {  	p1 =	seq.s32 s10, $0x7C0;
	[sflag:s17] =	ssyncset.done $0x0  }
0x130: {  	s14 =	simm.s32 @!p1 $0x3000;
	s7 =	rddreg [dreg:$0xe];
	[sflag:s17] =	ssyncadd.s32 $0xFFFFC000  }
0x131: {  	[tilespmem:s0], [sflag:$0xB] =	stream.indirect.gather.add.f32 [hbm:s1], $0x80, s25, s21, $0xb8;
	[tilespmem:$0x13600] =	vst v63  }
0x132: {  	s8 =	rddreg [dreg:$0xd];
	s12 =	sadd.s32 @!p1 s10, s7;
	s7 =	simm.s32 @!p1 $0x0  }
0x133: {  	[tilespmem:s14], [sflag:$0x1] =	stream.linear.gather @!p1 [hbm4b:s12+s7], $0x80, $0x38;
	[tilespmem:$0x13600] =	vst v63  }
0x134: {  	s8 =	sadd.s32 @!p1 s10, s8;
	s12 =	simm.s32 @!p1 $0x3200  }
0x135: {  	[tilespmem:s12], [sflag:$0x1] =	stream.linear.gather @!p1 [hbm4b:s8+s7], $0x80, $0x38;
	[tilespmem:$0x13600] =	vst v63  }
0x136: {  	_ =	swait.ge [sflag:s19], $0x80  }
0x137: {  	[sflag:s19] =	ssyncset.done $0x0  }
0x138: {  	[sflag:s19] =	ssyncadd.s32 $0xFFFFFF80  }
0x139: {  	_ =	swait.ge [sflag:s19], $0x80  }
0x13a: {  	[sflag:s19] =	ssyncset.done $0x0  }
0x13b: {  	s8 =	simm.s32 @!p2 $0x10;
	[sflag:s19] =	ssyncadd.s32 $0xFFFFFF80  }
0x13c: {  	_ =	swait.ge @!p2 [sflag:s8], $0x4000  }
0x13d: {  	[sflag:s8] =	ssyncset.done @!p2 $0x0  }
0x13e: {  	[sflag:s8] =	ssyncadd.s32 @!p2 $0xFFFFC000  }
0x13f: {  	v49 =	vld [tilespmem:$0x33D0]  }
0x140: {  	v50 =	vld [tilespmem:$0x3380]  }
0x141: {  	v52 =	vld [tilespmem:$0x33F0]  }
0x142: {  	v53 =	vld [tilespmem:$0x33E0]  }
0x143: {  	v54 =	vld [tilespmem:$0x3390]  }
0x144: {  	v56 =	vld [tilespmem:$0x33A0]  }
0x145: {  	v51 =	vld [tilespmem:$0x33B0];
	v33 =	vshll.u32 v50, $0x9  }
0x146: {  	s11 =	sadd.s32 $0x40, s11;
	v55 =	vld [tilespmem:$0x33C0];
	v35 =	vshll.u32 v52, $0x9;
	v33 =	vor.u32 v24, v33  }
0x147: {  	p0 =	sne.s32 s11, $0x800;
	v58 =	vshll.u32 v53, $0x9;
	v35 =	vor.u32 v31, v35;
	[tilespmem:$0x3580] =	vst v33  }
.Ltmp0:
0x148: {  	v59 =	vshll.u32 v54, $0x9;
	v34 =	vor.u32 v30, v58;
	[tilespmem:$0x35F0] =	vst v35;
	(pc) =	sbr.rel @p0 .LBB2_2-.Ltmp0, $4  }
0x149: {  	v62 =	vshll.u32 v56, $0x9;
	v60 =	vor.u32 v25, v59;
	[tilespmem:$0x35E0] =	vst v34  }
0x14a: {  	v57 =	vshll.u32 v51, $0x9;
	v63 =	vor.u32 v26, v62;
	[tilespmem:$0x3590] =	vst v60  }
0x14b: {  	v32 =	vshll.u32 v49, $0x9;
	v61 =	vshll.u32 v55, $0x9;
	v33 =	vor.u32 v27, v57;
	[tilespmem:$0x35A0] =	vst v63  }
0x14c: {  	s13 =	smov.u32 s15;
	s8 =	rddreg [dreg:$0x13];
	v32 =	vor.u32 v29, v32;
	[tilespmem:$0x35B0] =	vst v33;
	v33 =	vor.u32 v28, v61  }
0x14d: {  	[tilespmem:$0x35C0] =	vst v33  }
0x14e: {  	[tilespmem:$0x35D0] =	vst v32  }
0x14f: {  	[tilespmem:s22], [sflag:$0x8] =	stream.indirect.gather [spmem:s3], $0x80, s8, s21, $0xb8;
	[tilespmem:$0x13600] =	vst v63  }
0x150: {  	_ =	swait.ge [sflag:s5], $0x4000  }
0x151: {  	[sflag:s5] =	ssyncset.done $0x0  }
0x152: {  	s15 =	sadd.s32 $0x1000, s13;
	[sflag:s5] =	ssyncadd.s32 $0xFFFFC000  }
0x153: {  	[hbm4b:s15+s4] =	stream.linear.scatter [tilespmem:s28], [sflag:$0xE], $0x4000, $0x38;
	[tilespmem:$0x13600] =	vst v63  }
0x154: {  	_ =	swait.ge [sflag:s6], $0x4000  }
0x155: {  	[sflag:s6] =	ssyncset.done $0x0  }
0x156: {  	s8 =	rddreg [dreg:$0xc];
	[sflag:s6] =	ssyncadd.s32 $0xFFFFC000  }
0x157: {  	[tilespmem:s22], [sflag:$0xC] =	stream.indirect.gather.add.f32 [hbm:s1], $0x80, s30, s21, $0xb8;
	[tilespmem:$0x13600] =	vst v63  }
0x158: {  	s12 =	simm.s32 @!p1 $0x3080;
	s11 =	rddreg [dreg:$0xb];
	s8 =	sadd.s32 @!p1 s10, s8  }
0x159: {  	[tilespmem:s12], [sflag:$0x2] =	stream.linear.gather @!p1 [hbm4b:s8+s7], $0x80, $0x38;
	[tilespmem:$0x13600] =	vst v63  }
0x15a: {  	s8 =	sadd.s32 @!p1 s10, s11;
	s10 =	simm.s32 @!p1 $0x3280;
	s11 =	simm.s32 @!p1 $0x1  }
0x15b: {  	[tilespmem:s10], [sflag:$0x2] =	stream.linear.gather @!p1 [hbm4b:s8+s7], $0x80, $0x38;
	[tilespmem:$0x13600] =	vst v63  }
0x15c: {  	_ =	swait.ge @!p1 [sflag:s11], $0x80  }
0x15d: {  	[sflag:s11] =	ssyncset.done @!p1 $0x0  }
0x15e: {  	[sflag:s11] =	ssyncadd.s32 @!p1 $0xFFFFFF80  }
0x15f: {  	_ =	swait.ge @!p1 [sflag:s11], $0x80  }
0x160: {  	[sflag:s11] =	ssyncset.done @!p1 $0x0  }
0x161: {  	s7 =	simm.s32 @!p1 $0xD;
	[sflag:s11] =	ssyncadd.s32 @!p1 $0xFFFFFF80  }
0x162: {  	_ =	swait.ge @!p1 [sflag:s7], $0x4000  }
0x163: {  	[sflag:s7] =	ssyncset.done @!p1 $0x0  }
0x164: {  	[sflag:s7] =	ssyncadd.s32 @!p1 $0xFFFFC000  }
0x165: {  	v32 =	vld @!p1 [tilespmem:$0x3200]  }
0x166: {  	v33 =	vld @!p1 [tilespmem:$0x3210]  }
0x167: {  	v34 =	vld @!p1 [tilespmem:$0x3220]  }
0x168: {  	v35 =	vld @!p1 [tilespmem:$0x3230]  }
0x169: {  	v36 =	vld @!p1 [tilespmem:$0x3250]  }
0x16a: {  	v37 =	vlaneseq.u32 @!p1;
	v38 =	vld @!p1 [tilespmem:$0x3260];
	v32 =	vshll.u32 @!p1 v32, $0x9  }
0x16b: {  	v39 =	vor.u32 @!p1 $0x10, v37;
	v40 =	vld @!p1 [tilespmem:$0x3240];
	v33 =	vshll.u32 @!p1 v33, $0x9;
	v32 =	vor.u32 @!p1 v37, v32  }
0x16c: {  	[tilespmem:$0x3400] =	vst @!p1 v32;
	v32 =	vor.u32 @!p1 v39, v33;
	v33 =	vshll.u32 @!p1 v34, $0x9;
	v34 =	vor.u32 @!p1 $0x20, v37;
	v39 =	vld @!p1 [tilespmem:$0x3270]  }
0x16d: {  	[tilespmem:$0x3410] =	vst @!p1 v32;
	v32 =	vor.u32 @!p1 v34, v33;
	v33 =	vshll.u32 @!p1 v35, $0x9;
	v34 =	vor.u32 @!p1 $0x30, v37  }
0x16e: {  	[tilespmem:$0x3420] =	vst @!p1 v32;
	v32 =	vor.u32 @!p1 v34, v33;
	v33 =	vshll.u32 @!p1 v36, $0x9;
	v34 =	vor.u32 @!p1 $0x50, v37  }
0x16f: {  	[tilespmem:$0x3430] =	vst @!p1 v32;
	v32 =	vor.u32 @!p1 v34, v33;
	v33 =	vshll.u32 @!p1 v38, $0x9;
	v34 =	vor.u32 @!p1 $0x60, v37  }
0x170: {  	v35 =	vshll.u32 @!p1 v40, $0x9;
	v36 =	vor.u32 @!p1 $0x40, v37;
	[tilespmem:$0x3450] =	vst @!p1 v32;
	v32 =	vor.u32 @!p1 v34, v33  }
0x171: {  	v33 =	vor.u32 @!p1 v36, v35;
	v34 =	vor.u32 @!p1 $0x70, v37;
	[tilespmem:$0x3460] =	vst @!p1 v32;
	v32 =	vshll.u32 @!p1 v39, $0x9  }
0x172: {  	[tilespmem:$0x3440] =	vst @!p1 v33;
	v32 =	vor.u32 @!p1 v34, v32  }
0x173: {  	s8 =	simm.s32 @!p1 $0x3400;
	s10 =	simm.s32 @!p1 $0x3600;
	s7 =	simm.s32 @!p1 $0x80;
	[tilespmem:$0x3470] =	vst @!p1 v32  }
0x174: {  	[tilespmem:s10], [sflag:$0x5] =	stream.indirect.gather @!p1 [spmem:s3], $0x80, s8, s7, $0xb8;
	[tilespmem:$0x13600] =	vst v63  }
0x175: {  	_ =	swait.ge [sflag:s9], $0x4000  }
0x176: {  	[sflag:s9] =	ssyncset.done $0x0  }
0x177: {  	s20 =	sadd.s32 $0x1800, s13;
	s8 =	simm.s32 $0xC;
	[sflag:s9] =	ssyncadd.s32 $0xFFFFC000  }
0x178: {  	[hbm4b:s20+s4] =	stream.linear.scatter [tilespmem:s0], [sflag:$0xF], $0x4000, $0x38;
	[tilespmem:$0x13600] =	vst v63  }
0x179: {  	_ =	swait.ge [sflag:s8], $0x4000  }
0x17a: {  	[sflag:s8] =	ssyncset.done $0x0  }
0x17b: {  	s11 =	simm.s32 $0xD;
	s10 =	rddreg [dreg:$0x1a];
	[sflag:s8] =	ssyncadd.s32 $0xFFFFC000  }
0x17c: {  	[hbm4b:s10+s4] =	stream.linear.scatter [tilespmem:s22], [sflag:$0x10], $0x4000, $0x38;
	[tilespmem:$0x13600] =	vst v63  }
0x17d: {  	_ =	swait.ge [sflag:s11], $0x4000  }
0x17e: {  	[sflag:s11] =	ssyncset.done $0x0  }
0x17f: {  	s12 =	simm.s32 $0xE;
	[sflag:s11] =	ssyncadd.s32 $0xFFFFC000  }
0x180: {  	_ =	swait.ge [sflag:s12], $0x4000  }
0x181: {  	[sflag:s12] =	ssyncset.done $0x0  }
0x182: {  	s13 =	simm.s32 $0xF;
	[sflag:s12] =	ssyncadd.s32 $0xFFFFC000  }
0x183: {  	_ =	swait.ge [sflag:s13], $0x4000  }
0x184: {  	[sflag:s13] =	ssyncset.done $0x0  }
0x185: {  	s14 =	simm.s32 $0x10;
	[sflag:s13] =	ssyncadd.s32 $0xFFFFC000  }
0x186: {  	_ =	swait.ge [sflag:s14], $0x4000  }
0x187: {  	s15 =	rddreg [dreg:$0x1e]  }
0x188: {  	s20 =	rddreg [dreg:$0x1b];
	s10 =	sadd.s32 $0x1, s15  }
0x189: {  	p0 =	sne.s32 s10, s20  }
.Ltmp1:
0x18a: {  	_ = 	snop;
	(pc) =	sbr.rel @p0 .LBB2_1-.Ltmp1, $3  }
0x18b: {  	_ =	sdelay $0x1  }
0x18c: {  	[sflag:s14] =	ssyncset.done $0x0  }
0x18d: {  	[sflag:s14] =	ssyncadd.s32 $0xFFFFC000  }
0x18e: {  	_ =	sfence.sel $0x180000  }
0x18f: {  	[bflag:$0x0] =	sbarrier.arrive $0xFFFF  }
0x190: {  	_ =	strace $0x90000047  }
0x191: {  	s0 =	stileid.u32;
	[bflag:$0x2] =	sbarrier.arrive $0xFFFF  }
0x192: {  	p0 =	sne.s32 s0, $0x0;
	s0 =	rddreg [dreg:$0x6]  }
0x193: {  	s0 =	sadd.s32 @!p0 $0x100000, s0  }
0x194: {  	[sflag:s0] =	ssyncadd.tile.s32 @!p0 $0x1;
	_ =	shalt  }
.Lfunc_end2:
_tile_overlayer_lowered:
.L_overlay_start_2:
0x195: {  	(tag) =	ssettag $0x2  }
0x196: {  	s0 =	rddreg [dreg:$0x0];
	s2 =	stileid.u32  }
0x197: {  	s1 =	rddreg [dreg:$0x1];
	p0 =	sne.s32 s2, $0x0  }
0x198: {  	s3 =	rddreg [dreg:$0x2];
	[bflag:$0x3] =	sbarrier.arrive $0xFFFF;
	s2 =	simm.s32 @!p0 $0x1C11  }
0x199: {  	[timem:s3], [sflag:s2] =	dma.local @!p0 [hbm:s0], s1  }
0x19a: {  	s0 =	simm.s32 @!p0 $0x11  }
0x19b: {  	_ =	swait.ge @!p0 [sflag:s0], s1  }
0x19c: {  	s1 =	ssub.s32 @!p0 $0x0, s1;
	[sflag:s0] =	ssyncset.done @!p0 $0x0  }
0x19d: {  	[sflag:s0] =	ssyncadd.s32 @!p0 s1  }
0x19e: {  	[bflag:$0x3] =	sbarrier.arrive $0xFFFF  }
0x19f: {  	_ =	shalt  }

</sc_bundles>
